<compile_context>
chip_gen: v7x
topology: tpu7x:2x2x1
jax: 0.10.2.dev20260603
libtpu: 0.0.44.dev20260713+nightly
codegen_flags: <defaults>
</compile_context>

<pallas_src>
import jax
import jax.numpy as jnp
from jax import lax
from jax.experimental import pallas as pl
from jax.experimental.pallas import tpu as pltpu
from jax.experimental.pallas import tpu_sc as plsc

R, C = 128, 100000
L = 16
G = 4
VS = 46000
VW = 400
NCH = 8
WIN = VW * NCH
SHARD = VS // 16
BV = 1000
NEG_INF = float("-inf")


def _merge(ma, ia, mb, ib):
    take = (mb > ma) | ((mb == ma) & (ib < ia))
    return jnp.where(take, mb, ma), jnp.where(take, ib, ia)


def _sc_argmax(xt):
    mesh = plsc.VectorSubcoreMesh(core_axis_name="c", subcore_axis_name="s")

    @pl.kernel(
        out_type=(jax.ShapeDtypeStruct((R,), jnp.int32),
                  jax.ShapeDtypeStruct((R,), jnp.float32),
                  jax.ShapeDtypeStruct((2048,), jnp.float32),
                  jax.ShapeDtypeStruct((2048,), jnp.int32)),
        mesh=mesh,
        scratch_types=[
            pltpu.VMEM((VW, 128), jnp.float32),
            pltpu.VMEM((VW, 128), jnp.float32),
            pltpu.VMEM((G, L), jnp.float32),
            pltpu.VMEM((G, L), jnp.int32),
            pltpu.VMEM((L * L,), jnp.float32),
            pltpu.VMEM((L * L,), jnp.int32),
            pltpu.VMEM((L,), jnp.int32),
            pltpu.VMEM((L,), jnp.float32),
            pltpu.SemaphoreType.DMA,
            pltpu.SemaphoreType.DMA,
            pltpu.SemaphoreType.DMA,
        ],
    )
    def body(x_hbm, out_hbm, outm_hbm, xchm_hbm, xchc_hbm,
             bufA, bufB, mv, iv, gm, gi, res_v, resm_v, semA, semB, semC):
        s = lax.axis_index("s")
        c = lax.axis_index("c")
        bufs = (bufA, bufB)
        sems = (semA, semB)
        off0 = (s * SHARD) // 8 * 8
        off0 = pl.multiple_of(jnp.minimum(off0, VS - WIN), 8)

        def start(j):
            return pltpu.async_copy(
                x_hbm.at[pl.ds(pl.multiple_of(off0 + j * VW, 8), VW)],
                bufs[j % 2], sems[j % 2])

        copies = [start(0), start(1)]
        ms = [jnp.full((L,), NEG_INF, jnp.float32) for _ in range(G)]
        is_ = [jnp.zeros((L,), jnp.int32) for _ in range(G)]
        for j in range(NCH):
            buf = bufs[j % 2]
            copies[j % 2].wait()
            t0 = jnp.zeros((L,), jnp.int32) + (off0 + j * VW)

            def step(v, carry, buf=buf):
                st = list(carry)
                t_vec = st[2 * G]
                for g in range(G):
                    val = buf[v, pl.ds((c * G + g) * L, L)]
                    gt = val > st[g]
                    st[g] = jnp.where(gt, val, st[g])
                    st[G + g] = jnp.where(gt, t_vec, st[G + g])
                st[2 * G] = t_vec + 1
                return tuple(st)

            out_c = lax.fori_loop(0, VW, step, tuple(ms) + tuple(is_) + (t0,))
            ms, is_ = list(out_c[:G]), list(out_c[G:2 * G])
            if j + 2 < NCH:
                copies[j % 2] = start(j + 2)

        for g in range(G):
            mv[g, :] = ms[g]
            iv[g, :] = is_[g]
        for g in range(G):
            doff = pl.multiple_of(((c * G + g) * L + s) * L, 8)
            pltpu.sync_copy(mv.at[g], xchm_hbm.at[pl.ds(doff, L)])
            pltpu.sync_copy(iv.at[g], xchc_hbm.at[pl.ds(doff, L)])
        plsc.subcore_barrier()

        @pl.when(s < G)
        def _():
            poff = pl.multiple_of((c * G + s) * L * L, 8)
            pltpu.async_copy(xchm_hbm.at[pl.ds(poff, L * L)], gm, semC).wait()
            pltpu.async_copy(xchc_hbm.at[pl.ds(poff, L * L)], gi, semC).wait()
            m, idx = gm[pl.ds(0, L)], gi[pl.ds(0, L)]
            for t in range(1, L):
                m, idx = _merge(m, idx,
                                gm[pl.ds(t * L, L)], gi[pl.ds(t * L, L)])
            res_v[...] = idx
            resm_v[...] = m
            ooff = pl.multiple_of((c * G + s) * L, 8)
            pltpu.sync_copy(res_v, out_hbm.at[pl.ds(ooff, L)])
            pltpu.sync_copy(resm_v, outm_hbm.at[pl.ds(ooff, L)])

    res = body(xt)
    return res[0], res[1]


def _tc_argmax(xt):
    nb = (C - VS) // BV

    def tc_body(x_ref, io_ref, mo_ref, ms, is_):
        k = pl.program_id(0)

        @pl.when(k == 0)
        def _():
            ms[...] = jnp.full((1, 128), NEG_INF, jnp.float32)
            is_[...] = jnp.zeros((1, 128), jnp.int32)

        xb = x_ref[...]
        bm = jnp.max(xb, axis=0, keepdims=True)
        bi = jnp.argmax(xb, axis=0)[None].astype(jnp.int32)
        cur = bi + (VS + k * BV)
        m = ms[...]
        idx = is_[...]
        gt = bm > m
        ms[...] = jnp.where(gt, bm, m)
        is_[...] = jnp.where(gt, cur, idx)

        @pl.when(k == nb - 1)
        def _():
            io_ref[...] = is_[...]
            mo_ref[...] = ms[...]

    return pl.pallas_call(
        tc_body,
        grid=(nb,),
        in_specs=[pl.BlockSpec((BV, 128), lambda k: (VS // BV + k, 0))],
        out_specs=[pl.BlockSpec((1, 128), lambda k: (0, 0)),
                   pl.BlockSpec((1, 128), lambda k: (0, 0))],
        out_shape=[jax.ShapeDtypeStruct((1, 128), jnp.int32),
                   jax.ShapeDtypeStruct((1, 128), jnp.float32)],
        scratch_shapes=[pltpu.VMEM((1, 128), jnp.float32),
                        pltpu.VMEM((1, 128), jnp.int32)],
    )(xt)


def kernel(m_logits):
    xt = m_logits.T
    sc_idx, sc_m = _sc_argmax(xt)
    tc_idx, tc_m = _tc_argmax(xt)
    tc_idx, tc_m = tc_idx[0], tc_m[0]
    out = jnp.where(tc_m > sc_m, tc_idx, sc_idx)
    return out.reshape(R, 1).astype(jnp.int64)

# --- scband reference (transcript-rebuilt; emitter-appended) ---
"""Pipeline reference for scband-greedy-head-7026566496664 (READ-ONLY COPY).

The authoritative reference and input builder live on the scoring server;
editing this copy changes nothing except your own understanding.
"""

import jax, jax.numpy as jnp
import numpy as np

def setup_inputs(seed: int = 0) -> dict:
    key = jax.random.key(seed)
    m_logits = jax.random.normal(key, (128, 100000), dtype=jnp.float32)
    return {"m_logits": m_logits}

def reference(m_logits):
    # torch: _, token = torch.topk(m_logits.float(), 1); return token
    _, token = jax.lax.top_k(m_logits.astype(jnp.float32), 1)
    return token.astype(jnp.int64)

if __name__ == "__main__":
    import jax
    _d = setup_inputs()
    print(jax.jit(kernel)(*tuple(_d.values())))

</pallas_src>

<mosaic_0001>
#map = affine_map<(d0, d1) -> (0, 0)>
#map1 = affine_map<(d0, d1) -> (0)>
module attributes {stable_mosaic.version = 14 : i64} {
  func.func @body(%arg0: i32, %arg1: i32, %arg2: memref<100000x128xf32, #tpu.memory_space<hbm>>, %arg3: memref<128xi32, #tpu.memory_space<hbm>>, %arg4: memref<128xf32, #tpu.memory_space<hbm>>, %arg5: memref<2048xf32, #tpu.memory_space<hbm>>, %arg6: memref<2048xi32, #tpu.memory_space<hbm>>, %arg7: memref<400x128xf32, #tpu.memory_space<vmem>>, %arg8: memref<400x128xf32, #tpu.memory_space<vmem>>, %arg9: memref<4x16xf32, #tpu.memory_space<vmem>>, %arg10: memref<4x16xi32, #tpu.memory_space<vmem>>, %arg11: memref<256xf32, #tpu.memory_space<vmem>>, %arg12: memref<256xi32, #tpu.memory_space<vmem>>, %arg13: memref<16xi32, #tpu.memory_space<vmem>>, %arg14: memref<16xf32, #tpu.memory_space<vmem>>, %arg15: memref<!tpu.dma_semaphore, #tpu.memory_space<semaphore_mem>>, %arg16: memref<!tpu.dma_semaphore, #tpu.memory_space<semaphore_mem>>, %arg17: memref<!tpu.dma_semaphore, #tpu.memory_space<semaphore_mem>>) attributes {dimension_semantics = [#tpu.dimension_semantics<core_parallel>, #tpu.dimension_semantics<subcore_parallel>], iteration_bounds = array<i64: 2, 16>, scalar_prefetch = 0 : i64, scratch_operands = 11 : i64, tpu.core_type = #tpu.core_type<sc_vector_subcore>, window_params = [{transform_indices = #map}, {transform_indices = #map1}, {transform_indices = #map1}, {transform_indices = #map1}, {transform_indices = #map1}]} {
    %mul3A = arith.constant 2875 : i32
    %mul3A_0 = arith.muli %arg1, %mul3A : i32
    %jit3A = arith.constant 8 : i32
    %div3A = arith.divsi %mul3A_0, %jit3A : i32
    %sign3A = arith.constant 0 : i32
    %sign3A_1 = arith.cmpi sgt, %mul3A_0, %sign3A : i32
    %sign3A_2 = arith.extui %sign3A_1 : i1 to i32
    %sign3A_3 = arith.constant 0 : i32
    %sign3A_4 = arith.cmpi slt, %mul3A_0, %sign3A_3 : i32
    %sign3A_5 = arith.extui %sign3A_4 : i1 to i32
    %sign3A_6 = arith.subi %sign3A_2, %sign3A_5 : i32
    %sign3A_7 = arith.constant 0 : i32
    %sign3A_8 = arith.cmpi sgt, %jit3A, %sign3A_7 : i32
    %sign3A_9 = arith.extui %sign3A_8 : i1 to i32
    %sign3A_10 = arith.constant 0 : i32
    %sign3A_11 = arith.cmpi slt, %jit3A, %sign3A_10 : i32
    %sign3A_12 = arith.extui %sign3A_11 : i1 to i32
    %sign3A_13 = arith.subi %sign3A_9, %sign3A_12 : i32
    %ne3A = arith.cmpi ne, %sign3A_6, %sign3A_13 : i32
    %rem3A = arith.remsi %mul3A_0, %jit3A : i32
    %ne3A_14 = arith.constant 0 : i32
    %ne3A_15 = arith.cmpi ne, %rem3A, %ne3A_14 : i32
    %and3A = arith.andi %ne3A, %ne3A_15 : i1
    %sub3A = arith.constant 1 : i32
    %sub3A_16 = arith.subi %div3A, %sub3A : i32
    %select_n3A = arith.select %and3A, %sub3A_16, %div3A : i32
    %mul3A_17 = arith.constant 8 : i32
    %mul3A_18 = arith.muli %select_n3A, %mul3A_17 : i32
    %min3A = arith.constant 42800 : i32
    %min3A_19 = arith.minsi %mul3A_18, %min3A : i32
    %multiple_of3A = tpu.assume_multiple %min3A_19, 8 : i32
    %add3A = arith.constant 0 : i32
    %add3A_20 = arith.addi %multiple_of3A, %add3A : i32
    %multiple_of3A_21 = tpu.assume_multiple %add3A_20, 8 : i32
    %dma_start3A = arith.constant 0 : i32
    %dma_start3A_22 = tpu.memref_slice %arg2[%multiple_of3A_21, %dma_start3A] : memref<100000x128xf32, #tpu.memory_space<hbm>> -> memref<400x128xf32, #tpu.memory_space<hbm>>
    %dma_start3A_23 = arith.constant 0 : i32
    %dma_start3A_24 = tpu.memref_slice %arg2[%multiple_of3A_21, %dma_start3A_23] : memref<100000x128xf32, #tpu.memory_space<hbm>> -> memref<400x128xf32, #tpu.memory_space<hbm>>
    tpu.enqueue_dma source(%dma_start3A_24 : memref<400x128xf32, #tpu.memory_space<hbm>>) target(%arg7 : memref<400x128xf32, #tpu.memory_space<vmem>>) target_semaphore(%arg15 : memref<!tpu.dma_semaphore, #tpu.memory_space<semaphore_mem>>)
    %add3A_25 = arith.constant 400 : i32
    %add3A_26 = arith.addi %multiple_of3A, %add3A_25 : i32
    %multiple_of3A_27 = tpu.assume_multiple %add3A_26, 8 : i32
    %dma_start3A_28 = arith.constant 0 : i32
    %dma_start3A_29 = tpu.memref_slice %arg2[%multiple_of3A_27, %dma_start3A_28] : memref<100000x128xf32, #tpu.memory_space<hbm>> -> memref<400x128xf32, #tpu.memory_space<hbm>>
    %dma_start3A_30 = arith.constant 0 : i32
    %dma_start3A_31 = tpu.memref_slice %arg2[%multiple_of3A_27, %dma_start3A_30] : memref<100000x128xf32, #tpu.memory_space<hbm>> -> memref<400x128xf32, #tpu.memory_space<hbm>>
    tpu.enqueue_dma source(%dma_start3A_31 : memref<400x128xf32, #tpu.memory_space<hbm>>) target(%arg8 : memref<400x128xf32, #tpu.memory_space<vmem>>) target_semaphore(%arg16 : memref<!tpu.dma_semaphore, #tpu.memory_space<semaphore_mem>>)
    %broadcast_in_dim3A = arith.constant 0xFF800000 : f32
    %broadcast_in_dim3A_32 = vector.broadcast %broadcast_in_dim3A : f32 to vector<16xf32>
    %broadcast_in_dim3A_33 = arith.constant 0xFF800000 : f32
    %broadcast_in_dim3A_34 = vector.broadcast %broadcast_in_dim3A_33 : f32 to vector<16xf32>
    %broadcast_in_dim3A_35 = arith.constant 0xFF800000 : f32
    %broadcast_in_dim3A_36 = vector.broadcast %broadcast_in_dim3A_35 : f32 to vector<16xf32>
    %broadcast_in_dim3A_37 = arith.constant 0xFF800000 : f32
    %broadcast_in_dim3A_38 = vector.broadcast %broadcast_in_dim3A_37 : f32 to vector<16xf32>
    %broadcast_in_dim3A_39 = arith.constant 0 : i32
    %broadcast_in_dim3A_40 = vector.broadcast %broadcast_in_dim3A_39 : i32 to vector<16xi32>
    %broadcast_in_dim3A_41 = arith.constant 0 : i32
    %broadcast_in_dim3A_42 = vector.broadcast %broadcast_in_dim3A_41 : i32 to vector<16xi32>
    %broadcast_in_dim3A_43 = arith.constant 0 : i32
    %broadcast_in_dim3A_44 = vector.broadcast %broadcast_in_dim3A_43 : i32 to vector<16xi32>
    %broadcast_in_dim3A_45 = arith.constant 0 : i32
    %broadcast_in_dim3A_46 = vector.broadcast %broadcast_in_dim3A_45 : i32 to vector<16xi32>
    %dma_wait3A = arith.constant 0 : i32
    %dma_wait3A_47 = tpu.memref_slice %arg2[%multiple_of3A_21, %dma_wait3A] : memref<100000x128xf32, #tpu.memory_space<hbm>> -> memref<400x128xf32, #tpu.memory_space<hbm>>
    %dma_wait3A_48 = arith.constant 0 : i32
    %dma_wait3A_49 = tpu.memref_slice %arg2[%multiple_of3A_21, %dma_wait3A_48] : memref<100000x128xf32, #tpu.memory_space<hbm>> -> memref<400x128xf32, #tpu.memory_space<hbm>>
    tpu.wait_dma2 semaphore(%arg15 : memref<!tpu.dma_semaphore, #tpu.memory_space<semaphore_mem>>) src(%dma_wait3A_49 : memref<400x128xf32, #tpu.memory_space<hbm>>) dst(%arg7 : memref<400x128xf32, #tpu.memory_space<vmem>>)
    %broadcast_in_dim3A_50 = arith.constant 0 : i32
    %broadcast_in_dim3A_51 = vector.broadcast %broadcast_in_dim3A_50 : i32 to vector<16xi32>
    %add3A_52 = arith.constant 0 : i32
    %add3A_53 = arith.addi %multiple_of3A, %add3A_52 : i32
    %add3A_54 = vector.broadcast %add3A_53 : i32 to vector<16xi32>
    %add3A_55 = arith.addi %broadcast_in_dim3A_51, %add3A_54 : vector<16xi32>
    %scan3A = arith.constant 0 : i32
    %scan3A_56 = arith.constant 400 : i32
    %scan3A_57 = arith.addi %scan3A, %scan3A_56 : i32
    %scan3A_58 = arith.constant 1 : i32
    %scan3A_59:9 = scf.for %scan3A_311 = %scan3A to %scan3A_57 step %scan3A_58 iter_args(%scan3A_312 = %broadcast_in_dim3A_32, %scan3A_313 = %broadcast_in_dim3A_34, %scan3A_314 = %broadcast_in_dim3A_36, %scan3A_315 = %broadcast_in_dim3A_38, %scan3A_316 = %broadcast_in_dim3A_40, %scan3A_317 = %broadcast_in_dim3A_42, %scan3A_318 = %broadcast_in_dim3A_44, %scan3A_319 = %broadcast_in_dim3A_46, %scan3A_320 = %add3A_55) -> (vector<16xf32>, vector<16xf32>, vector<16xf32>, vector<16xf32>, vector<16xi32>, vector<16xi32>, vector<16xi32>, vector<16xi32>, vector<16xi32>)  : i32 {
      %mul3A_321 = arith.constant 4 : i32
      %mul3A_322 = arith.muli %arg0, %mul3A_321 : i32
      %add3A_323 = arith.constant 0 : i32
      %add3A_324 = arith.addi %mul3A_322, %add3A_323 : i32
      %mul3A_325 = arith.constant 16 : i32
      %mul3A_326 = arith.muli %add3A_324, %mul3A_325 : i32
      %get3A = arith.index_cast %scan3A_311 : i32 to index
      %get3A_327 = arith.index_cast %mul3A_326 : i32 to index
      %get3A_328 = tpu.vector_load %arg7[%get3A, %get3A_327] {strides = array<i32>} : memref<400x128xf32, #tpu.memory_space<vmem>>, vector<1x16xf32>,
      %get3A_329 = vector.shape_cast %get3A_328 : vector<1x16xf32> to vector<16xf32>
      %gt3A = arith.cmpf ogt, %get3A_329, %scan3A_312 : vector<16xf32>
      %select_n3A_330 = arith.select %gt3A, %get3A_329, %scan3A_312 : vector<16xi1>, vector<16xf32>
      %select_n3A_331 = arith.select %gt3A, %scan3A_320, %scan3A_316 : vector<16xi1>, vector<16xi32>
      %mul3A_332 = arith.constant 4 : i32
      %mul3A_333 = arith.muli %arg0, %mul3A_332 : i32
      %add3A_334 = arith.constant 1 : i32
      %add3A_335 = arith.addi %mul3A_333, %add3A_334 : i32
      %mul3A_336 = arith.constant 16 : i32
      %mul3A_337 = arith.muli %add3A_335, %mul3A_336 : i32
      %get3A_338 = arith.index_cast %scan3A_311 : i32 to index
      %get3A_339 = arith.index_cast %mul3A_337 : i32 to index
      %get3A_340 = tpu.vector_load %arg7[%get3A_338, %get3A_339] {strides = array<i32>} : memref<400x128xf32, #tpu.memory_space<vmem>>, vector<1x16xf32>,
      %get3A_341 = vector.shape_cast %get3A_340 : vector<1x16xf32> to vector<16xf32>
      %gt3A_342 = arith.cmpf ogt, %get3A_341, %scan3A_313 : vector<16xf32>
      %select_n3A_343 = arith.select %gt3A_342, %get3A_341, %scan3A_313 : vector<16xi1>, vector<16xf32>
      %select_n3A_344 = arith.select %gt3A_342, %scan3A_320, %scan3A_317 : vector<16xi1>, vector<16xi32>
      %mul3A_345 = arith.constant 4 : i32
      %mul3A_346 = arith.muli %arg0, %mul3A_345 : i32
      %add3A_347 = arith.constant 2 : i32
      %add3A_348 = arith.addi %mul3A_346, %add3A_347 : i32
      %mul3A_349 = arith.constant 16 : i32
      %mul3A_350 = arith.muli %add3A_348, %mul3A_349 : i32
      %get3A_351 = arith.index_cast %scan3A_311 : i32 to index
      %get3A_352 = arith.index_cast %mul3A_350 : i32 to index
      %get3A_353 = tpu.vector_load %arg7[%get3A_351, %get3A_352] {strides = array<i32>} : memref<400x128xf32, #tpu.memory_space<vmem>>, vector<1x16xf32>,
      %get3A_354 = vector.shape_cast %get3A_353 : vector<1x16xf32> to vector<16xf32>
      %gt3A_355 = arith.cmpf ogt, %get3A_354, %scan3A_314 : vector<16xf32>
      %select_n3A_356 = arith.select %gt3A_355, %get3A_354, %scan3A_314 : vector<16xi1>, vector<16xf32>
      %select_n3A_357 = arith.select %gt3A_355, %scan3A_320, %scan3A_318 : vector<16xi1>, vector<16xi32>
      %mul3A_358 = arith.constant 4 : i32
      %mul3A_359 = arith.muli %arg0, %mul3A_358 : i32
      %add3A_360 = arith.constant 3 : i32
      %add3A_361 = arith.addi %mul3A_359, %add3A_360 : i32
      %mul3A_362 = arith.constant 16 : i32
      %mul3A_363 = arith.muli %add3A_361, %mul3A_362 : i32
      %get3A_364 = arith.index_cast %scan3A_311 : i32 to index
      %get3A_365 = arith.index_cast %mul3A_363 : i32 to index
      %get3A_366 = tpu.vector_load %arg7[%get3A_364, %get3A_365] {strides = array<i32>} : memref<400x128xf32, #tpu.memory_space<vmem>>, vector<1x16xf32>,
      %get3A_367 = vector.shape_cast %get3A_366 : vector<1x16xf32> to vector<16xf32>
      %gt3A_368 = arith.cmpf ogt, %get3A_367, %scan3A_315 : vector<16xf32>
      %select_n3A_369 = arith.select %gt3A_368, %get3A_367, %scan3A_315 : vector<16xi1>, vector<16xf32>
      %select_n3A_370 = arith.select %gt3A_368, %scan3A_320, %scan3A_319 : vector<16xi1>, vector<16xi32>
      %add3A_371 = arith.constant 1 : i32
      %add3A_372 = vector.broadcast %add3A_371 : i32 to vector<16xi32>
      %add3A_373 = arith.addi %scan3A_320, %add3A_372 : vector<16xi32>
      scf.yield %select_n3A_330, %select_n3A_343, %select_n3A_356, %select_n3A_369, %select_n3A_331, %select_n3A_344, %select_n3A_357, %select_n3A_370, %add3A_373 : vector<16xf32>, vector<16xf32>, vector<16xf32>, vector<16xf32>, vector<16xi32>, vector<16xi32>, vector<16xi32>, vector<16xi32>, vector<16xi32>
    }
    %scan3A_60 = arith.constant 400 : i32
    %add3A_61 = arith.constant 800 : i32
    %add3A_62 = arith.addi %multiple_of3A, %add3A_61 : i32
    %multiple_of3A_63 = tpu.assume_multiple %add3A_62, 8 : i32
    %dma_start3A_64 = arith.constant 0 : i32
    %dma_start3A_65 = tpu.memref_slice %arg2[%multiple_of3A_63, %dma_start3A_64] : memref<100000x128xf32, #tpu.memory_space<hbm>> -> memref<400x128xf32, #tpu.memory_space<hbm>>
    %dma_start3A_66 = arith.constant 0 : i32
    %dma_start3A_67 = tpu.memref_slice %arg2[%multiple_of3A_63, %dma_start3A_66] : memref<100000x128xf32, #tpu.memory_space<hbm>> -> memref<400x128xf32, #tpu.memory_space<hbm>>
    tpu.enqueue_dma source(%dma_start3A_67 : memref<400x128xf32, #tpu.memory_space<hbm>>) target(%arg7 : memref<400x128xf32, #tpu.memory_space<vmem>>) target_semaphore(%arg15 : memref<!tpu.dma_semaphore, #tpu.memory_space<semaphore_mem>>)
    %dma_wait3A_68 = arith.constant 0 : i32
    %dma_wait3A_69 = tpu.memref_slice %arg2[%multiple_of3A_27, %dma_wait3A_68] : memref<100000x128xf32, #tpu.memory_space<hbm>> -> memref<400x128xf32, #tpu.memory_space<hbm>>
    %dma_wait3A_70 = arith.constant 0 : i32
    %dma_wait3A_71 = tpu.memref_slice %arg2[%multiple_of3A_27, %dma_wait3A_70] : memref<100000x128xf32, #tpu.memory_space<hbm>> -> memref<400x128xf32, #tpu.memory_space<hbm>>
    tpu.wait_dma2 semaphore(%arg16 : memref<!tpu.dma_semaphore, #tpu.memory_space<semaphore_mem>>) src(%dma_wait3A_71 : memref<400x128xf32, #tpu.memory_space<hbm>>) dst(%arg8 : memref<400x128xf32, #tpu.memory_space<vmem>>)
    %broadcast_in_dim3A_72 = arith.constant 0 : i32
    %broadcast_in_dim3A_73 = vector.broadcast %broadcast_in_dim3A_72 : i32 to vector<16xi32>
    %add3A_74 = arith.constant 400 : i32
    %add3A_75 = arith.addi %multiple_of3A, %add3A_74 : i32
    %add3A_76 = vector.broadcast %add3A_75 : i32 to vector<16xi32>
    %add3A_77 = arith.addi %broadcast_in_dim3A_73, %add3A_76 : vector<16xi32>
    %scan3A_78 = arith.constant 0 : i32
    %scan3A_79 = arith.constant 400 : i32
    %scan3A_80 = arith.addi %scan3A_78, %scan3A_79 : i32
    %scan3A_81 = arith.constant 1 : i32
    %scan3A_82:9 = scf.for %scan3A_311 = %scan3A_78 to %scan3A_80 step %scan3A_81 iter_args(%scan3A_312 = %scan3A_59#0, %scan3A_313 = %scan3A_59#1, %scan3A_314 = %scan3A_59#2, %scan3A_315 = %scan3A_59#3, %scan3A_316 = %scan3A_59#4, %scan3A_317 = %scan3A_59#5, %scan3A_318 = %scan3A_59#6, %scan3A_319 = %scan3A_59#7, %scan3A_320 = %add3A_77) -> (vector<16xf32>, vector<16xf32>, vector<16xf32>, vector<16xf32>, vector<16xi32>, vector<16xi32>, vector<16xi32>, vector<16xi32>, vector<16xi32>)  : i32 {
      %mul3A_321 = arith.constant 4 : i32
      %mul3A_322 = arith.muli %arg0, %mul3A_321 : i32
      %add3A_323 = arith.constant 0 : i32
      %add3A_324 = arith.addi %mul3A_322, %add3A_323 : i32
      %mul3A_325 = arith.constant 16 : i32
      %mul3A_326 = arith.muli %add3A_324, %mul3A_325 : i32
      %get3A = arith.index_cast %scan3A_311 : i32 to index
      %get3A_327 = arith.index_cast %mul3A_326 : i32 to index
      %get3A_328 = tpu.vector_load %arg8[%get3A, %get3A_327] {strides = array<i32>} : memref<400x128xf32, #tpu.memory_space<vmem>>, vector<1x16xf32>,
      %get3A_329 = vector.shape_cast %get3A_328 : vector<1x16xf32> to vector<16xf32>
      %gt3A = arith.cmpf ogt, %get3A_329, %scan3A_312 : vector<16xf32>
      %select_n3A_330 = arith.select %gt3A, %get3A_329, %scan3A_312 : vector<16xi1>, vector<16xf32>
      %select_n3A_331 = arith.select %gt3A, %scan3A_320, %scan3A_316 : vector<16xi1>, vector<16xi32>
      %mul3A_332 = arith.constant 4 : i32
      %mul3A_333 = arith.muli %arg0, %mul3A_332 : i32
      %add3A_334 = arith.constant 1 : i32
      %add3A_335 = arith.addi %mul3A_333, %add3A_334 : i32
      %mul3A_336 = arith.constant 16 : i32
      %mul3A_337 = arith.muli %add3A_335, %mul3A_336 : i32
      %get3A_338 = arith.index_cast %scan3A_311 : i32 to index
      %get3A_339 = arith.index_cast %mul3A_337 : i32 to index
      %get3A_340 = tpu.vector_load %arg8[%get3A_338, %get3A_339] {strides = array<i32>} : memref<400x128xf32, #tpu.memory_space<vmem>>, vector<1x16xf32>,
      %get3A_341 = vector.shape_cast %get3A_340 : vector<1x16xf32> to vector<16xf32>
      %gt3A_342 = arith.cmpf ogt, %get3A_341, %scan3A_313 : vector<16xf32>
      %select_n3A_343 = arith.select %gt3A_342, %get3A_341, %scan3A_313 : vector<16xi1>, vector<16xf32>
      %select_n3A_344 = arith.select %gt3A_342, %scan3A_320, %scan3A_317 : vector<16xi1>, vector<16xi32>
      %mul3A_345 = arith.constant 4 : i32
      %mul3A_346 = arith.muli %arg0, %mul3A_345 : i32
      %add3A_347 = arith.constant 2 : i32
      %add3A_348 = arith.addi %mul3A_346, %add3A_347 : i32
      %mul3A_349 = arith.constant 16 : i32
      %mul3A_350 = arith.muli %add3A_348, %mul3A_349 : i32
      %get3A_351 = arith.index_cast %scan3A_311 : i32 to index
      %get3A_352 = arith.index_cast %mul3A_350 : i32 to index
      %get3A_353 = tpu.vector_load %arg8[%get3A_351, %get3A_352] {strides = array<i32>} : memref<400x128xf32, #tpu.memory_space<vmem>>, vector<1x16xf32>,
      %get3A_354 = vector.shape_cast %get3A_353 : vector<1x16xf32> to vector<16xf32>
      %gt3A_355 = arith.cmpf ogt, %get3A_354, %scan3A_314 : vector<16xf32>
      %select_n3A_356 = arith.select %gt3A_355, %get3A_354, %scan3A_314 : vector<16xi1>, vector<16xf32>
      %select_n3A_357 = arith.select %gt3A_355, %scan3A_320, %scan3A_318 : vector<16xi1>, vector<16xi32>
      %mul3A_358 = arith.constant 4 : i32
      %mul3A_359 = arith.muli %arg0, %mul3A_358 : i32
      %add3A_360 = arith.constant 3 : i32
      %add3A_361 = arith.addi %mul3A_359, %add3A_360 : i32
      %mul3A_362 = arith.constant 16 : i32
      %mul3A_363 = arith.muli %add3A_361, %mul3A_362 : i32
      %get3A_364 = arith.index_cast %scan3A_311 : i32 to index
      %get3A_365 = arith.index_cast %mul3A_363 : i32 to index
      %get3A_366 = tpu.vector_load %arg8[%get3A_364, %get3A_365] {strides = array<i32>} : memref<400x128xf32, #tpu.memory_space<vmem>>, vector<1x16xf32>,
      %get3A_367 = vector.shape_cast %get3A_366 : vector<1x16xf32> to vector<16xf32>
      %gt3A_368 = arith.cmpf ogt, %get3A_367, %scan3A_315 : vector<16xf32>
      %select_n3A_369 = arith.select %gt3A_368, %get3A_367, %scan3A_315 : vector<16xi1>, vector<16xf32>
      %select_n3A_370 = arith.select %gt3A_368, %scan3A_320, %scan3A_319 : vector<16xi1>, vector<16xi32>
      %add3A_371 = arith.constant 1 : i32
      %add3A_372 = vector.broadcast %add3A_371 : i32 to vector<16xi32>
      %add3A_373 = arith.addi %scan3A_320, %add3A_372 : vector<16xi32>
      scf.yield %select_n3A_330, %select_n3A_343, %select_n3A_356, %select_n3A_369, %select_n3A_331, %select_n3A_344, %select_n3A_357, %select_n3A_370, %add3A_373 : vector<16xf32>, vector<16xf32>, vector<16xf32>, vector<16xf32>, vector<16xi32>, vector<16xi32>, vector<16xi32>, vector<16xi32>, vector<16xi32>
    }
    %scan3A_83 = arith.constant 400 : i32
    %add3A_84 = arith.constant 1200 : i32
    %add3A_85 = arith.addi %multiple_of3A, %add3A_84 : i32
    %multiple_of3A_86 = tpu.assume_multiple %add3A_85, 8 : i32
    %dma_start3A_87 = arith.constant 0 : i32
    %dma_start3A_88 = tpu.memref_slice %arg2[%multiple_of3A_86, %dma_start3A_87] : memref<100000x128xf32, #tpu.memory_space<hbm>> -> memref<400x128xf32, #tpu.memory_space<hbm>>
    %dma_start3A_89 = arith.constant 0 : i32
    %dma_start3A_90 = tpu.memref_slice %arg2[%multiple_of3A_86, %dma_start3A_89] : memref<100000x128xf32, #tpu.memory_space<hbm>> -> memref<400x128xf32, #tpu.memory_space<hbm>>
    tpu.enqueue_dma source(%dma_start3A_90 : memref<400x128xf32, #tpu.memory_space<hbm>>) target(%arg8 : memref<400x128xf32, #tpu.memory_space<vmem>>) target_semaphore(%arg16 : memref<!tpu.dma_semaphore, #tpu.memory_space<semaphore_mem>>)
    %dma_wait3A_91 = arith.constant 0 : i32
    %dma_wait3A_92 = tpu.memref_slice %arg2[%multiple_of3A_63, %dma_wait3A_91] : memref<100000x128xf32, #tpu.memory_space<hbm>> -> memref<400x128xf32, #tpu.memory_space<hbm>>
    %dma_wait3A_93 = arith.constant 0 : i32
    %dma_wait3A_94 = tpu.memref_slice %arg2[%multiple_of3A_63, %dma_wait3A_93] : memref<100000x128xf32, #tpu.memory_space<hbm>> -> memref<400x128xf32, #tpu.memory_space<hbm>>
    tpu.wait_dma2 semaphore(%arg15 : memref<!tpu.dma_semaphore, #tpu.memory_space<semaphore_mem>>) src(%dma_wait3A_94 : memref<400x128xf32, #tpu.memory_space<hbm>>) dst(%arg7 : memref<400x128xf32, #tpu.memory_space<vmem>>)
    %broadcast_in_dim3A_95 = arith.constant 0 : i32
    %broadcast_in_dim3A_96 = vector.broadcast %broadcast_in_dim3A_95 : i32 to vector<16xi32>
    %add3A_97 = arith.constant 800 : i32
    %add3A_98 = arith.addi %multiple_of3A, %add3A_97 : i32
    %add3A_99 = vector.broadcast %add3A_98 : i32 to vector<16xi32>
    %add3A_100 = arith.addi %broadcast_in_dim3A_96, %add3A_99 : vector<16xi32>
    %scan3A_101 = arith.constant 0 : i32
    %scan3A_102 = arith.constant 400 : i32
    %scan3A_103 = arith.addi %scan3A_101, %scan3A_102 : i32
    %scan3A_104 = arith.constant 1 : i32
    %scan3A_105:9 = scf.for %scan3A_311 = %scan3A_101 to %scan3A_103 step %scan3A_104 iter_args(%scan3A_312 = %scan3A_82#0, %scan3A_313 = %scan3A_82#1, %scan3A_314 = %scan3A_82#2, %scan3A_315 = %scan3A_82#3, %scan3A_316 = %scan3A_82#4, %scan3A_317 = %scan3A_82#5, %scan3A_318 = %scan3A_82#6, %scan3A_319 = %scan3A_82#7, %scan3A_320 = %add3A_100) -> (vector<16xf32>, vector<16xf32>, vector<16xf32>, vector<16xf32>, vector<16xi32>, vector<16xi32>, vector<16xi32>, vector<16xi32>, vector<16xi32>)  : i32 {
      %mul3A_321 = arith.constant 4 : i32
      %mul3A_322 = arith.muli %arg0, %mul3A_321 : i32
      %add3A_323 = arith.constant 0 : i32
      %add3A_324 = arith.addi %mul3A_322, %add3A_323 : i32
      %mul3A_325 = arith.constant 16 : i32
      %mul3A_326 = arith.muli %add3A_324, %mul3A_325 : i32
      %get3A = arith.index_cast %scan3A_311 : i32 to index
      %get3A_327 = arith.index_cast %mul3A_326 : i32 to index
      %get3A_328 = tpu.vector_load %arg7[%get3A, %get3A_327] {strides = array<i32>} : memref<400x128xf32, #tpu.memory_space<vmem>>, vector<1x16xf32>,
      %get3A_329 = vector.shape_cast %get3A_328 : vector<1x16xf32> to vector<16xf32>
      %gt3A = arith.cmpf ogt, %get3A_329, %scan3A_312 : vector<16xf32>
      %select_n3A_330 = arith.select %gt3A, %get3A_329, %scan3A_312 : vector<16xi1>, vector<16xf32>
      %select_n3A_331 = arith.select %gt3A, %scan3A_320, %scan3A_316 : vector<16xi1>, vector<16xi32>
      %mul3A_332 = arith.constant 4 : i32
      %mul3A_333 = arith.muli %arg0, %mul3A_332 : i32
      %add3A_334 = arith.constant 1 : i32
      %add3A_335 = arith.addi %mul3A_333, %add3A_334 : i32
      %mul3A_336 = arith.constant 16 : i32
      %mul3A_337 = arith.muli %add3A_335, %mul3A_336 : i32
      %get3A_338 = arith.index_cast %scan3A_311 : i32 to index
      %get3A_339 = arith.index_cast %mul3A_337 : i32 to index
      %get3A_340 = tpu.vector_load %arg7[%get3A_338, %get3A_339] {strides = array<i32>} : memref<400x128xf32, #tpu.memory_space<vmem>>, vector<1x16xf32>,
      %get3A_341 = vector.shape_cast %get3A_340 : vector<1x16xf32> to vector<16xf32>
      %gt3A_342 = arith.cmpf ogt, %get3A_341, %scan3A_313 : vector<16xf32>
      %select_n3A_343 = arith.select %gt3A_342, %get3A_341, %scan3A_313 : vector<16xi1>, vector<16xf32>
      %select_n3A_344 = arith.select %gt3A_342, %scan3A_320, %scan3A_317 : vector<16xi1>, vector<16xi32>
      %mul3A_345 = arith.constant 4 : i32
      %mul3A_346 = arith.muli %arg0, %mul3A_345 : i32
      %add3A_347 = arith.constant 2 : i32
      %add3A_348 = arith.addi %mul3A_346, %add3A_347 : i32
      %mul3A_349 = arith.constant 16 : i32
      %mul3A_350 = arith.muli %add3A_348, %mul3A_349 : i32
      %get3A_351 = arith.index_cast %scan3A_311 : i32 to index
      %get3A_352 = arith.index_cast %mul3A_350 : i32 to index
      %get3A_353 = tpu.vector_load %arg7[%get3A_351, %get3A_352] {strides = array<i32>} : memref<400x128xf32, #tpu.memory_space<vmem>>, vector<1x16xf32>,
      %get3A_354 = vector.shape_cast %get3A_353 : vector<1x16xf32> to vector<16xf32>
      %gt3A_355 = arith.cmpf ogt, %get3A_354, %scan3A_314 : vector<16xf32>
      %select_n3A_356 = arith.select %gt3A_355, %get3A_354, %scan3A_314 : vector<16xi1>, vector<16xf32>
      %select_n3A_357 = arith.select %gt3A_355, %scan3A_320, %scan3A_318 : vector<16xi1>, vector<16xi32>
      %mul3A_358 = arith.constant 4 : i32
      %mul3A_359 = arith.muli %arg0, %mul3A_358 : i32
      %add3A_360 = arith.constant 3 : i32
      %add3A_361 = arith.addi %mul3A_359, %add3A_360 : i32
      %mul3A_362 = arith.constant 16 : i32
      %mul3A_363 = arith.muli %add3A_361, %mul3A_362 : i32
      %get3A_364 = arith.index_cast %scan3A_311 : i32 to index
      %get3A_365 = arith.index_cast %mul3A_363 : i32 to index
      %get3A_366 = tpu.vector_load %arg7[%get3A_364, %get3A_365] {strides = array<i32>} : memref<400x128xf32, #tpu.memory_space<vmem>>, vector<1x16xf32>,
      %get3A_367 = vector.shape_cast %get3A_366 : vector<1x16xf32> to vector<16xf32>
      %gt3A_368 = arith.cmpf ogt, %get3A_367, %scan3A_315 : vector<16xf32>
      %select_n3A_369 = arith.select %gt3A_368, %get3A_367, %scan3A_315 : vector<16xi1>, vector<16xf32>
      %select_n3A_370 = arith.select %gt3A_368, %scan3A_320, %scan3A_319 : vector<16xi1>, vector<16xi32>
      %add3A_371 = arith.constant 1 : i32
      %add3A_372 = vector.broadcast %add3A_371 : i32 to vector<16xi32>
      %add3A_373 = arith.addi %scan3A_320, %add3A_372 : vector<16xi32>
      scf.yield %select_n3A_330, %select_n3A_343, %select_n3A_356, %select_n3A_369, %select_n3A_331, %select_n3A_344, %select_n3A_357, %select_n3A_370, %add3A_373 : vector<16xf32>, vector<16xf32>, vector<16xf32>, vector<16xf32>, vector<16xi32>, vector<16xi32>, vector<16xi32>, vector<16xi32>, vector<16xi32>
    }
    %scan3A_106 = arith.constant 400 : i32
    %add3A_107 = arith.constant 1600 : i32
    %add3A_108 = arith.addi %multiple_of3A, %add3A_107 : i32
    %multiple_of3A_109 = tpu.assume_multiple %add3A_108, 8 : i32
    %dma_start3A_110 = arith.constant 0 : i32
    %dma_start3A_111 = tpu.memref_slice %arg2[%multiple_of3A_109, %dma_start3A_110] : memref<100000x128xf32, #tpu.memory_space<hbm>> -> memref<400x128xf32, #tpu.memory_space<hbm>>
    %dma_start3A_112 = arith.constant 0 : i32
    %dma_start3A_113 = tpu.memref_slice %arg2[%multiple_of3A_109, %dma_start3A_112] : memref<100000x128xf32, #tpu.memory_space<hbm>> -> memref<400x128xf32, #tpu.memory_space<hbm>>
    tpu.enqueue_dma source(%dma_start3A_113 : memref<400x128xf32, #tpu.memory_space<hbm>>) target(%arg7 : memref<400x128xf32, #tpu.memory_space<vmem>>) target_semaphore(%arg15 : memref<!tpu.dma_semaphore, #tpu.memory_space<semaphore_mem>>)
    %dma_wait3A_114 = arith.constant 0 : i32
    %dma_wait3A_115 = tpu.memref_slice %arg2[%multiple_of3A_86, %dma_wait3A_114] : memref<100000x128xf32, #tpu.memory_space<hbm>> -> memref<400x128xf32, #tpu.memory_space<hbm>>
    %dma_wait3A_116 = arith.constant 0 : i32
    %dma_wait3A_117 = tpu.memref_slice %arg2[%multiple_of3A_86, %dma_wait3A_116] : memref<100000x128xf32, #tpu.memory_space<hbm>> -> memref<400x128xf32, #tpu.memory_space<hbm>>
    tpu.wait_dma2 semaphore(%arg16 : memref<!tpu.dma_semaphore, #tpu.memory_space<semaphore_mem>>) src(%dma_wait3A_117 : memref<400x128xf32, #tpu.memory_space<hbm>>) dst(%arg8 : memref<400x128xf32, #tpu.memory_space<vmem>>)
    %broadcast_in_dim3A_118 = arith.constant 0 : i32
    %broadcast_in_dim3A_119 = vector.broadcast %broadcast_in_dim3A_118 : i32 to vector<16xi32>
    %add3A_120 = arith.constant 1200 : i32
    %add3A_121 = arith.addi %multiple_of3A, %add3A_120 : i32
    %add3A_122 = vector.broadcast %add3A_121 : i32 to vector<16xi32>
    %add3A_123 = arith.addi %broadcast_in_dim3A_119, %add3A_122 : vector<16xi32>
    %scan3A_124 = arith.constant 0 : i32
    %scan3A_125 = arith.constant 400 : i32
    %scan3A_126 = arith.addi %scan3A_124, %scan3A_125 : i32
    %scan3A_127 = arith.constant 1 : i32
    %scan3A_128:9 = scf.for %scan3A_311 = %scan3A_124 to %scan3A_126 step %scan3A_127 iter_args(%scan3A_312 = %scan3A_105#0, %scan3A_313 = %scan3A_105#1, %scan3A_314 = %scan3A_105#2, %scan3A_315 = %scan3A_105#3, %scan3A_316 = %scan3A_105#4, %scan3A_317 = %scan3A_105#5, %scan3A_318 = %scan3A_105#6, %scan3A_319 = %scan3A_105#7, %scan3A_320 = %add3A_123) -> (vector<16xf32>, vector<16xf32>, vector<16xf32>, vector<16xf32>, vector<16xi32>, vector<16xi32>, vector<16xi32>, vector<16xi32>, vector<16xi32>)  : i32 {
      %mul3A_321 = arith.constant 4 : i32
      %mul3A_322 = arith.muli %arg0, %mul3A_321 : i32
      %add3A_323 = arith.constant 0 : i32
      %add3A_324 = arith.addi %mul3A_322, %add3A_323 : i32
      %mul3A_325 = arith.constant 16 : i32
      %mul3A_326 = arith.muli %add3A_324, %mul3A_325 : i32
      %get3A = arith.index_cast %scan3A_311 : i32 to index
      %get3A_327 = arith.index_cast %mul3A_326 : i32 to index
      %get3A_328 = tpu.vector_load %arg8[%get3A, %get3A_327] {strides = array<i32>} : memref<400x128xf32, #tpu.memory_space<vmem>>, vector<1x16xf32>,
      %get3A_329 = vector.shape_cast %get3A_328 : vector<1x16xf32> to vector<16xf32>
      %gt3A = arith.cmpf ogt, %get3A_329, %scan3A_312 : vector<16xf32>
      %select_n3A_330 = arith.select %gt3A, %get3A_329, %scan3A_312 : vector<16xi1>, vector<16xf32>
      %select_n3A_331 = arith.select %gt3A, %scan3A_320, %scan3A_316 : vector<16xi1>, vector<16xi32>
      %mul3A_332 = arith.constant 4 : i32
      %mul3A_333 = arith.muli %arg0, %mul3A_332 : i32
      %add3A_334 = arith.constant 1 : i32
      %add3A_335 = arith.addi %mul3A_333, %add3A_334 : i32
      %mul3A_336 = arith.constant 16 : i32
      %mul3A_337 = arith.muli %add3A_335, %mul3A_336 : i32
      %get3A_338 = arith.index_cast %scan3A_311 : i32 to index
      %get3A_339 = arith.index_cast %mul3A_337 : i32 to index
      %get3A_340 = tpu.vector_load %arg8[%get3A_338, %get3A_339] {strides = array<i32>} : memref<400x128xf32, #tpu.memory_space<vmem>>, vector<1x16xf32>,
      %get3A_341 = vector.shape_cast %get3A_340 : vector<1x16xf32> to vector<16xf32>
      %gt3A_342 = arith.cmpf ogt, %get3A_341, %scan3A_313 : vector<16xf32>
      %select_n3A_343 = arith.select %gt3A_342, %get3A_341, %scan3A_313 : vector<16xi1>, vector<16xf32>
      %select_n3A_344 = arith.select %gt3A_342, %scan3A_320, %scan3A_317 : vector<16xi1>, vector<16xi32>
      %mul3A_345 = arith.constant 4 : i32
      %mul3A_346 = arith.muli %arg0, %mul3A_345 : i32
      %add3A_347 = arith.constant 2 : i32
      %add3A_348 = arith.addi %mul3A_346, %add3A_347 : i32
      %mul3A_349 = arith.constant 16 : i32
      %mul3A_350 = arith.muli %add3A_348, %mul3A_349 : i32
      %get3A_351 = arith.index_cast %scan3A_311 : i32 to index
      %get3A_352 = arith.index_cast %mul3A_350 : i32 to index
      %get3A_353 = tpu.vector_load %arg8[%get3A_351, %get3A_352] {strides = array<i32>} : memref<400x128xf32, #tpu.memory_space<vmem>>, vector<1x16xf32>,
      %get3A_354 = vector.shape_cast %get3A_353 : vector<1x16xf32> to vector<16xf32>
      %gt3A_355 = arith.cmpf ogt, %get3A_354, %scan3A_314 : vector<16xf32>
      %select_n3A_356 = arith.select %gt3A_355, %get3A_354, %scan3A_314 : vector<16xi1>, vector<16xf32>
      %select_n3A_357 = arith.select %gt3A_355, %scan3A_320, %scan3A_318 : vector<16xi1>, vector<16xi32>
      %mul3A_358 = arith.constant 4 : i32
      %mul3A_359 = arith.muli %arg0, %mul3A_358 : i32
      %add3A_360 = arith.constant 3 : i32
      %add3A_361 = arith.addi %mul3A_359, %add3A_360 : i32
      %mul3A_362 = arith.constant 16 : i32
      %mul3A_363 = arith.muli %add3A_361, %mul3A_362 : i32
      %get3A_364 = arith.index_cast %scan3A_311 : i32 to index
      %get3A_365 = arith.index_cast %mul3A_363 : i32 to index
      %get3A_366 = tpu.vector_load %arg8[%get3A_364, %get3A_365] {strides = array<i32>} : memref<400x128xf32, #tpu.memory_space<vmem>>, vector<1x16xf32>,
      %get3A_367 = vector.shape_cast %get3A_366 : vector<1x16xf32> to vector<16xf32>
      %gt3A_368 = arith.cmpf ogt, %get3A_367, %scan3A_315 : vector<16xf32>
      %select_n3A_369 = arith.select %gt3A_368, %get3A_367, %scan3A_315 : vector<16xi1>, vector<16xf32>
      %select_n3A_370 = arith.select %gt3A_368, %scan3A_320, %scan3A_319 : vector<16xi1>, vector<16xi32>
      %add3A_371 = arith.constant 1 : i32
      %add3A_372 = vector.broadcast %add3A_371 : i32 to vector<16xi32>
      %add3A_373 = arith.addi %scan3A_320, %add3A_372 : vector<16xi32>
      scf.yield %select_n3A_330, %select_n3A_343, %select_n3A_356, %select_n3A_369, %select_n3A_331, %select_n3A_344, %select_n3A_357, %select_n3A_370, %add3A_373 : vector<16xf32>, vector<16xf32>, vector<16xf32>, vector<16xf32>, vector<16xi32>, vector<16xi32>, vector<16xi32>, vector<16xi32>, vector<16xi32>
    }
    %scan3A_129 = arith.constant 400 : i32
    %add3A_130 = arith.constant 2000 : i32
    %add3A_131 = arith.addi %multiple_of3A, %add3A_130 : i32
    %multiple_of3A_132 = tpu.assume_multiple %add3A_131, 8 : i32
    %dma_start3A_133 = arith.constant 0 : i32
    %dma_start3A_134 = tpu.memref_slice %arg2[%multiple_of3A_132, %dma_start3A_133] : memref<100000x128xf32, #tpu.memory_space<hbm>> -> memref<400x128xf32, #tpu.memory_space<hbm>>
    %dma_start3A_135 = arith.constant 0 : i32
    %dma_start3A_136 = tpu.memref_slice %arg2[%multiple_of3A_132, %dma_start3A_135] : memref<100000x128xf32, #tpu.memory_space<hbm>> -> memref<400x128xf32, #tpu.memory_space<hbm>>
    tpu.enqueue_dma source(%dma_start3A_136 : memref<400x128xf32, #tpu.memory_space<hbm>>) target(%arg8 : memref<400x128xf32, #tpu.memory_space<vmem>>) target_semaphore(%arg16 : memref<!tpu.dma_semaphore, #tpu.memory_space<semaphore_mem>>)
    %dma_wait3A_137 = arith.constant 0 : i32
    %dma_wait3A_138 = tpu.memref_slice %arg2[%multiple_of3A_109, %dma_wait3A_137] : memref<100000x128xf32, #tpu.memory_space<hbm>> -> memref<400x128xf32, #tpu.memory_space<hbm>>
    %dma_wait3A_139 = arith.constant 0 : i32
    %dma_wait3A_140 = tpu.memref_slice %arg2[%multiple_of3A_109, %dma_wait3A_139] : memref<100000x128xf32, #tpu.memory_space<hbm>> -> memref<400x128xf32, #tpu.memory_space<hbm>>
    tpu.wait_dma2 semaphore(%arg15 : memref<!tpu.dma_semaphore, #tpu.memory_space<semaphore_mem>>) src(%dma_wait3A_140 : memref<400x128xf32, #tpu.memory_space<hbm>>) dst(%arg7 : memref<400x128xf32, #tpu.memory_space<vmem>>)
    %broadcast_in_dim3A_141 = arith.constant 0 : i32
    %broadcast_in_dim3A_142 = vector.broadcast %broadcast_in_dim3A_141 : i32 to vector<16xi32>
    %add3A_143 = arith.constant 1600 : i32
    %add3A_144 = arith.addi %multiple_of3A, %add3A_143 : i32
    %add3A_145 = vector.broadcast %add3A_144 : i32 to vector<16xi32>
    %add3A_146 = arith.addi %broadcast_in_dim3A_142, %add3A_145 : vector<16xi32>
    %scan3A_147 = arith.constant 0 : i32
    %scan3A_148 = arith.constant 400 : i32
    %scan3A_149 = arith.addi %scan3A_147, %scan3A_148 : i32
    %scan3A_150 = arith.constant 1 : i32
    %scan3A_151:9 = scf.for %scan3A_311 = %scan3A_147 to %scan3A_149 step %scan3A_150 iter_args(%scan3A_312 = %scan3A_128#0, %scan3A_313 = %scan3A_128#1, %scan3A_314 = %scan3A_128#2, %scan3A_315 = %scan3A_128#3, %scan3A_316 = %scan3A_128#4, %scan3A_317 = %scan3A_128#5, %scan3A_318 = %scan3A_128#6, %scan3A_319 = %scan3A_128#7, %scan3A_320 = %add3A_146) -> (vector<16xf32>, vector<16xf32>, vector<16xf32>, vector<16xf32>, vector<16xi32>, vector<16xi32>, vector<16xi32>, vector<16xi32>, vector<16xi32>)  : i32 {
      %mul3A_321 = arith.constant 4 : i32
      %mul3A_322 = arith.muli %arg0, %mul3A_321 : i32
      %add3A_323 = arith.constant 0 : i32
      %add3A_324 = arith.addi %mul3A_322, %add3A_323 : i32
      %mul3A_325 = arith.constant 16 : i32
      %mul3A_326 = arith.muli %add3A_324, %mul3A_325 : i32
      %get3A = arith.index_cast %scan3A_311 : i32 to index
      %get3A_327 = arith.index_cast %mul3A_326 : i32 to index
      %get3A_328 = tpu.vector_load %arg7[%get3A, %get3A_327] {strides = array<i32>} : memref<400x128xf32, #tpu.memory_space<vmem>>, vector<1x16xf32>,
      %get3A_329 = vector.shape_cast %get3A_328 : vector<1x16xf32> to vector<16xf32>
      %gt3A = arith.cmpf ogt, %get3A_329, %scan3A_312 : vector<16xf32>
      %select_n3A_330 = arith.select %gt3A, %get3A_329, %scan3A_312 : vector<16xi1>, vector<16xf32>
      %select_n3A_331 = arith.select %gt3A, %scan3A_320, %scan3A_316 : vector<16xi1>, vector<16xi32>
      %mul3A_332 = arith.constant 4 : i32
      %mul3A_333 = arith.muli %arg0, %mul3A_332 : i32
      %add3A_334 = arith.constant 1 : i32
      %add3A_335 = arith.addi %mul3A_333, %add3A_334 : i32
      %mul3A_336 = arith.constant 16 : i32
      %mul3A_337 = arith.muli %add3A_335, %mul3A_336 : i32
      %get3A_338 = arith.index_cast %scan3A_311 : i32 to index
      %get3A_339 = arith.index_cast %mul3A_337 : i32 to index
      %get3A_340 = tpu.vector_load %arg7[%get3A_338, %get3A_339] {strides = array<i32>} : memref<400x128xf32, #tpu.memory_space<vmem>>, vector<1x16xf32>,
      %get3A_341 = vector.shape_cast %get3A_340 : vector<1x16xf32> to vector<16xf32>
      %gt3A_342 = arith.cmpf ogt, %get3A_341, %scan3A_313 : vector<16xf32>
      %select_n3A_343 = arith.select %gt3A_342, %get3A_341, %scan3A_313 : vector<16xi1>, vector<16xf32>
      %select_n3A_344 = arith.select %gt3A_342, %scan3A_320, %scan3A_317 : vector<16xi1>, vector<16xi32>
      %mul3A_345 = arith.constant 4 : i32
      %mul3A_346 = arith.muli %arg0, %mul3A_345 : i32
      %add3A_347 = arith.constant 2 : i32
      %add3A_348 = arith.addi %mul3A_346, %add3A_347 : i32
      %mul3A_349 = arith.constant 16 : i32
      %mul3A_350 = arith.muli %add3A_348, %mul3A_349 : i32
      %get3A_351 = arith.index_cast %scan3A_311 : i32 to index
      %get3A_352 = arith.index_cast %mul3A_350 : i32 to index
      %get3A_353 = tpu.vector_load %arg7[%get3A_351, %get3A_352] {strides = array<i32>} : memref<400x128xf32, #tpu.memory_space<vmem>>, vector<1x16xf32>,
      %get3A_354 = vector.shape_cast %get3A_353 : vector<1x16xf32> to vector<16xf32>
      %gt3A_355 = arith.cmpf ogt, %get3A_354, %scan3A_314 : vector<16xf32>
      %select_n3A_356 = arith.select %gt3A_355, %get3A_354, %scan3A_314 : vector<16xi1>, vector<16xf32>
      %select_n3A_357 = arith.select %gt3A_355, %scan3A_320, %scan3A_318 : vector<16xi1>, vector<16xi32>
      %mul3A_358 = arith.constant 4 : i32
      %mul3A_359 = arith.muli %arg0, %mul3A_358 : i32
      %add3A_360 = arith.constant 3 : i32
      %add3A_361 = arith.addi %mul3A_359, %add3A_360 : i32
      %mul3A_362 = arith.constant 16 : i32
      %mul3A_363 = arith.muli %add3A_361, %mul3A_362 : i32
      %get3A_364 = arith.index_cast %scan3A_311 : i32 to index
      %get3A_365 = arith.index_cast %mul3A_363 : i32 to index
      %get3A_366 = tpu.vector_load %arg7[%get3A_364, %get3A_365] {strides = array<i32>} : memref<400x128xf32, #tpu.memory_space<vmem>>, vector<1x16xf32>,
      %get3A_367 = vector.shape_cast %get3A_366 : vector<1x16xf32> to vector<16xf32>
      %gt3A_368 = arith.cmpf ogt, %get3A_367, %scan3A_315 : vector<16xf32>
      %select_n3A_369 = arith.select %gt3A_368, %get3A_367, %scan3A_315 : vector<16xi1>, vector<16xf32>
      %select_n3A_370 = arith.select %gt3A_368, %scan3A_320, %scan3A_319 : vector<16xi1>, vector<16xi32>
      %add3A_371 = arith.constant 1 : i32
      %add3A_372 = vector.broadcast %add3A_371 : i32 to vector<16xi32>
      %add3A_373 = arith.addi %scan3A_320, %add3A_372 : vector<16xi32>
      scf.yield %select_n3A_330, %select_n3A_343, %select_n3A_356, %select_n3A_369, %select_n3A_331, %select_n3A_344, %select_n3A_357, %select_n3A_370, %add3A_373 : vector<16xf32>, vector<16xf32>, vector<16xf32>, vector<16xf32>, vector<16xi32>, vector<16xi32>, vector<16xi32>, vector<16xi32>, vector<16xi32>
    }
    %scan3A_152 = arith.constant 400 : i32
    %add3A_153 = arith.constant 2400 : i32
    %add3A_154 = arith.addi %multiple_of3A, %add3A_153 : i32
    %multiple_of3A_155 = tpu.assume_multiple %add3A_154, 8 : i32
    %dma_start3A_156 = arith.constant 0 : i32
    %dma_start3A_157 = tpu.memref_slice %arg2[%multiple_of3A_155, %dma_start3A_156] : memref<100000x128xf32, #tpu.memory_space<hbm>> -> memref<400x128xf32, #tpu.memory_space<hbm>>
    %dma_start3A_158 = arith.constant 0 : i32
    %dma_start3A_159 = tpu.memref_slice %arg2[%multiple_of3A_155, %dma_start3A_158] : memref<100000x128xf32, #tpu.memory_space<hbm>> -> memref<400x128xf32, #tpu.memory_space<hbm>>
    tpu.enqueue_dma source(%dma_start3A_159 : memref<400x128xf32, #tpu.memory_space<hbm>>) target(%arg7 : memref<400x128xf32, #tpu.memory_space<vmem>>) target_semaphore(%arg15 : memref<!tpu.dma_semaphore, #tpu.memory_space<semaphore_mem>>)
    %dma_wait3A_160 = arith.constant 0 : i32
    %dma_wait3A_161 = tpu.memref_slice %arg2[%multiple_of3A_132, %dma_wait3A_160] : memref<100000x128xf32, #tpu.memory_space<hbm>> -> memref<400x128xf32, #tpu.memory_space<hbm>>
    %dma_wait3A_162 = arith.constant 0 : i32
    %dma_wait3A_163 = tpu.memref_slice %arg2[%multiple_of3A_132, %dma_wait3A_162] : memref<100000x128xf32, #tpu.memory_space<hbm>> -> memref<400x128xf32, #tpu.memory_space<hbm>>
    tpu.wait_dma2 semaphore(%arg16 : memref<!tpu.dma_semaphore, #tpu.memory_space<semaphore_mem>>) src(%dma_wait3A_163 : memref<400x128xf32, #tpu.memory_space<hbm>>) dst(%arg8 : memref<400x128xf32, #tpu.memory_space<vmem>>)
    %broadcast_in_dim3A_164 = arith.constant 0 : i32
    %broadcast_in_dim3A_165 = vector.broadcast %broadcast_in_dim3A_164 : i32 to vector<16xi32>
    %add3A_166 = arith.constant 2000 : i32
    %add3A_167 = arith.addi %multiple_of3A, %add3A_166 : i32
    %add3A_168 = vector.broadcast %add3A_167 : i32 to vector<16xi32>
    %add3A_169 = arith.addi %broadcast_in_dim3A_165, %add3A_168 : vector<16xi32>
    %scan3A_170 = arith.constant 0 : i32
    %scan3A_171 = arith.constant 400 : i32
    %scan3A_172 = arith.addi %scan3A_170, %scan3A_171 : i32
    %scan3A_173 = arith.constant 1 : i32
    %scan3A_174:9 = scf.for %scan3A_311 = %scan3A_170 to %scan3A_172 step %scan3A_173 iter_args(%scan3A_312 = %scan3A_151#0, %scan3A_313 = %scan3A_151#1, %scan3A_314 = %scan3A_151#2, %scan3A_315 = %scan3A_151#3, %scan3A_316 = %scan3A_151#4, %scan3A_317 = %scan3A_151#5, %scan3A_318 = %scan3A_151#6, %scan3A_319 = %scan3A_151#7, %scan3A_320 = %add3A_169) -> (vector<16xf32>, vector<16xf32>, vector<16xf32>, vector<16xf32>, vector<16xi32>, vector<16xi32>, vector<16xi32>, vector<16xi32>, vector<16xi32>)  : i32 {
      %mul3A_321 = arith.constant 4 : i32
      %mul3A_322 = arith.muli %arg0, %mul3A_321 : i32
      %add3A_323 = arith.constant 0 : i32
      %add3A_324 = arith.addi %mul3A_322, %add3A_323 : i32
      %mul3A_325 = arith.constant 16 : i32
      %mul3A_326 = arith.muli %add3A_324, %mul3A_325 : i32
      %get3A = arith.index_cast %scan3A_311 : i32 to index
      %get3A_327 = arith.index_cast %mul3A_326 : i32 to index
      %get3A_328 = tpu.vector_load %arg8[%get3A, %get3A_327] {strides = array<i32>} : memref<400x128xf32, #tpu.memory_space<vmem>>, vector<1x16xf32>,
      %get3A_329 = vector.shape_cast %get3A_328 : vector<1x16xf32> to vector<16xf32>
      %gt3A = arith.cmpf ogt, %get3A_329, %scan3A_312 : vector<16xf32>
      %select_n3A_330 = arith.select %gt3A, %get3A_329, %scan3A_312 : vector<16xi1>, vector<16xf32>
      %select_n3A_331 = arith.select %gt3A, %scan3A_320, %scan3A_316 : vector<16xi1>, vector<16xi32>
      %mul3A_332 = arith.constant 4 : i32
      %mul3A_333 = arith.muli %arg0, %mul3A_332 : i32
      %add3A_334 = arith.constant 1 : i32
      %add3A_335 = arith.addi %mul3A_333, %add3A_334 : i32
      %mul3A_336 = arith.constant 16 : i32
      %mul3A_337 = arith.muli %add3A_335, %mul3A_336 : i32
      %get3A_338 = arith.index_cast %scan3A_311 : i32 to index
      %get3A_339 = arith.index_cast %mul3A_337 : i32 to index
      %get3A_340 = tpu.vector_load %arg8[%get3A_338, %get3A_339] {strides = array<i32>} : memref<400x128xf32, #tpu.memory_space<vmem>>, vector<1x16xf32>,
      %get3A_341 = vector.shape_cast %get3A_340 : vector<1x16xf32> to vector<16xf32>
      %gt3A_342 = arith.cmpf ogt, %get3A_341, %scan3A_313 : vector<16xf32>
      %select_n3A_343 = arith.select %gt3A_342, %get3A_341, %scan3A_313 : vector<16xi1>, vector<16xf32>
      %select_n3A_344 = arith.select %gt3A_342, %scan3A_320, %scan3A_317 : vector<16xi1>, vector<16xi32>
      %mul3A_345 = arith.constant 4 : i32
      %mul3A_346 = arith.muli %arg0, %mul3A_345 : i32
      %add3A_347 = arith.constant 2 : i32
      %add3A_348 = arith.addi %mul3A_346, %add3A_347 : i32
      %mul3A_349 = arith.constant 16 : i32
      %mul3A_350 = arith.muli %add3A_348, %mul3A_349 : i32
      %get3A_351 = arith.index_cast %scan3A_311 : i32 to index
      %get3A_352 = arith.index_cast %mul3A_350 : i32 to index
      %get3A_353 = tpu.vector_load %arg8[%get3A_351, %get3A_352] {strides = array<i32>} : memref<400x128xf32, #tpu.memory_space<vmem>>, vector<1x16xf32>,
      %get3A_354 = vector.shape_cast %get3A_353 : vector<1x16xf32> to vector<16xf32>
      %gt3A_355 = arith.cmpf ogt, %get3A_354, %scan3A_314 : vector<16xf32>
      %select_n3A_356 = arith.select %gt3A_355, %get3A_354, %scan3A_314 : vector<16xi1>, vector<16xf32>
      %select_n3A_357 = arith.select %gt3A_355, %scan3A_320, %scan3A_318 : vector<16xi1>, vector<16xi32>
      %mul3A_358 = arith.constant 4 : i32
      %mul3A_359 = arith.muli %arg0, %mul3A_358 : i32
      %add3A_360 = arith.constant 3 : i32
      %add3A_361 = arith.addi %mul3A_359, %add3A_360 : i32
      %mul3A_362 = arith.constant 16 : i32
      %mul3A_363 = arith.muli %add3A_361, %mul3A_362 : i32
      %get3A_364 = arith.index_cast %scan3A_311 : i32 to index
      %get3A_365 = arith.index_cast %mul3A_363 : i32 to index
      %get3A_366 = tpu.vector_load %arg8[%get3A_364, %get3A_365] {strides = array<i32>} : memref<400x128xf32, #tpu.memory_space<vmem>>, vector<1x16xf32>,
      %get3A_367 = vector.shape_cast %get3A_366 : vector<1x16xf32> to vector<16xf32>
      %gt3A_368 = arith.cmpf ogt, %get3A_367, %scan3A_315 : vector<16xf32>
      %select_n3A_369 = arith.select %gt3A_368, %get3A_367, %scan3A_315 : vector<16xi1>, vector<16xf32>
      %select_n3A_370 = arith.select %gt3A_368, %scan3A_320, %scan3A_319 : vector<16xi1>, vector<16xi32>
      %add3A_371 = arith.constant 1 : i32
      %add3A_372 = vector.broadcast %add3A_371 : i32 to vector<16xi32>
      %add3A_373 = arith.addi %scan3A_320, %add3A_372 : vector<16xi32>
      scf.yield %select_n3A_330, %select_n3A_343, %select_n3A_356, %select_n3A_369, %select_n3A_331, %select_n3A_344, %select_n3A_357, %select_n3A_370, %add3A_373 : vector<16xf32>, vector<16xf32>, vector<16xf32>, vector<16xf32>, vector<16xi32>, vector<16xi32>, vector<16xi32>, vector<16xi32>, vector<16xi32>
    }
    %scan3A_175 = arith.constant 400 : i32
    %add3A_176 = arith.constant 2800 : i32
    %add3A_177 = arith.addi %multiple_of3A, %add3A_176 : i32
    %multiple_of3A_178 = tpu.assume_multiple %add3A_177, 8 : i32
    %dma_start3A_179 = arith.constant 0 : i32
    %dma_start3A_180 = tpu.memref_slice %arg2[%multiple_of3A_178, %dma_start3A_179] : memref<100000x128xf32, #tpu.memory_space<hbm>> -> memref<400x128xf32, #tpu.memory_space<hbm>>
    %dma_start3A_181 = arith.constant 0 : i32
    %dma_start3A_182 = tpu.memref_slice %arg2[%multiple_of3A_178, %dma_start3A_181] : memref<100000x128xf32, #tpu.memory_space<hbm>> -> memref<400x128xf32, #tpu.memory_space<hbm>>
    tpu.enqueue_dma source(%dma_start3A_182 : memref<400x128xf32, #tpu.memory_space<hbm>>) target(%arg8 : memref<400x128xf32, #tpu.memory_space<vmem>>) target_semaphore(%arg16 : memref<!tpu.dma_semaphore, #tpu.memory_space<semaphore_mem>>)
    %dma_wait3A_183 = arith.constant 0 : i32
    %dma_wait3A_184 = tpu.memref_slice %arg2[%multiple_of3A_155, %dma_wait3A_183] : memref<100000x128xf32, #tpu.memory_space<hbm>> -> memref<400x128xf32, #tpu.memory_space<hbm>>
    %dma_wait3A_185 = arith.constant 0 : i32
    %dma_wait3A_186 = tpu.memref_slice %arg2[%multiple_of3A_155, %dma_wait3A_185] : memref<100000x128xf32, #tpu.memory_space<hbm>> -> memref<400x128xf32, #tpu.memory_space<hbm>>
    tpu.wait_dma2 semaphore(%arg15 : memref<!tpu.dma_semaphore, #tpu.memory_space<semaphore_mem>>) src(%dma_wait3A_186 : memref<400x128xf32, #tpu.memory_space<hbm>>) dst(%arg7 : memref<400x128xf32, #tpu.memory_space<vmem>>)
    %broadcast_in_dim3A_187 = arith.constant 0 : i32
    %broadcast_in_dim3A_188 = vector.broadcast %broadcast_in_dim3A_187 : i32 to vector<16xi32>
    %add3A_189 = arith.constant 2400 : i32
    %add3A_190 = arith.addi %multiple_of3A, %add3A_189 : i32
    %add3A_191 = vector.broadcast %add3A_190 : i32 to vector<16xi32>
    %add3A_192 = arith.addi %broadcast_in_dim3A_188, %add3A_191 : vector<16xi32>
    %scan3A_193 = arith.constant 0 : i32
    %scan3A_194 = arith.constant 400 : i32
    %scan3A_195 = arith.addi %scan3A_193, %scan3A_194 : i32
    %scan3A_196 = arith.constant 1 : i32
    %scan3A_197:9 = scf.for %scan3A_311 = %scan3A_193 to %scan3A_195 step %scan3A_196 iter_args(%scan3A_312 = %scan3A_174#0, %scan3A_313 = %scan3A_174#1, %scan3A_314 = %scan3A_174#2, %scan3A_315 = %scan3A_174#3, %scan3A_316 = %scan3A_174#4, %scan3A_317 = %scan3A_174#5, %scan3A_318 = %scan3A_174#6, %scan3A_319 = %scan3A_174#7, %scan3A_320 = %add3A_192) -> (vector<16xf32>, vector<16xf32>, vector<16xf32>, vector<16xf32>, vector<16xi32>, vector<16xi32>, vector<16xi32>, vector<16xi32>, vector<16xi32>)  : i32 {
      %mul3A_321 = arith.constant 4 : i32
      %mul3A_322 = arith.muli %arg0, %mul3A_321 : i32
      %add3A_323 = arith.constant 0 : i32
      %add3A_324 = arith.addi %mul3A_322, %add3A_323 : i32
      %mul3A_325 = arith.constant 16 : i32
      %mul3A_326 = arith.muli %add3A_324, %mul3A_325 : i32
      %get3A = arith.index_cast %scan3A_311 : i32 to index
      %get3A_327 = arith.index_cast %mul3A_326 : i32 to index
      %get3A_328 = tpu.vector_load %arg7[%get3A, %get3A_327] {strides = array<i32>} : memref<400x128xf32, #tpu.memory_space<vmem>>, vector<1x16xf32>,
      %get3A_329 = vector.shape_cast %get3A_328 : vector<1x16xf32> to vector<16xf32>
      %gt3A = arith.cmpf ogt, %get3A_329, %scan3A_312 : vector<16xf32>
      %select_n3A_330 = arith.select %gt3A, %get3A_329, %scan3A_312 : vector<16xi1>, vector<16xf32>
      %select_n3A_331 = arith.select %gt3A, %scan3A_320, %scan3A_316 : vector<16xi1>, vector<16xi32>
      %mul3A_332 = arith.constant 4 : i32
      %mul3A_333 = arith.muli %arg0, %mul3A_332 : i32
      %add3A_334 = arith.constant 1 : i32
      %add3A_335 = arith.addi %mul3A_333, %add3A_334 : i32
      %mul3A_336 = arith.constant 16 : i32
      %mul3A_337 = arith.muli %add3A_335, %mul3A_336 : i32
      %get3A_338 = arith.index_cast %scan3A_311 : i32 to index
      %get3A_339 = arith.index_cast %mul3A_337 : i32 to index
      %get3A_340 = tpu.vector_load %arg7[%get3A_338, %get3A_339] {strides = array<i32>} : memref<400x128xf32, #tpu.memory_space<vmem>>, vector<1x16xf32>,
      %get3A_341 = vector.shape_cast %get3A_340 : vector<1x16xf32> to vector<16xf32>
      %gt3A_342 = arith.cmpf ogt, %get3A_341, %scan3A_313 : vector<16xf32>
      %select_n3A_343 = arith.select %gt3A_342, %get3A_341, %scan3A_313 : vector<16xi1>, vector<16xf32>
      %select_n3A_344 = arith.select %gt3A_342, %scan3A_320, %scan3A_317 : vector<16xi1>, vector<16xi32>
      %mul3A_345 = arith.constant 4 : i32
      %mul3A_346 = arith.muli %arg0, %mul3A_345 : i32
      %add3A_347 = arith.constant 2 : i32
      %add3A_348 = arith.addi %mul3A_346, %add3A_347 : i32
      %mul3A_349 = arith.constant 16 : i32
      %mul3A_350 = arith.muli %add3A_348, %mul3A_349 : i32
      %get3A_351 = arith.index_cast %scan3A_311 : i32 to index
      %get3A_352 = arith.index_cast %mul3A_350 : i32 to index
      %get3A_353 = tpu.vector_load %arg7[%get3A_351, %get3A_352] {strides = array<i32>} : memref<400x128xf32, #tpu.memory_space<vmem>>, vector<1x16xf32>,
      %get3A_354 = vector.shape_cast %get3A_353 : vector<1x16xf32> to vector<16xf32>
      %gt3A_355 = arith.cmpf ogt, %get3A_354, %scan3A_314 : vector<16xf32>
      %select_n3A_356 = arith.select %gt3A_355, %get3A_354, %scan3A_314 : vector<16xi1>, vector<16xf32>
      %select_n3A_357 = arith.select %gt3A_355, %scan3A_320, %scan3A_318 : vector<16xi1>, vector<16xi32>
      %mul3A_358 = arith.constant 4 : i32
      %mul3A_359 = arith.muli %arg0, %mul3A_358 : i32
      %add3A_360 = arith.constant 3 : i32
      %add3A_361 = arith.addi %mul3A_359, %add3A_360 : i32
      %mul3A_362 = arith.constant 16 : i32
      %mul3A_363 = arith.muli %add3A_361, %mul3A_362 : i32
      %get3A_364 = arith.index_cast %scan3A_311 : i32 to index
      %get3A_365 = arith.index_cast %mul3A_363 : i32 to index
      %get3A_366 = tpu.vector_load %arg7[%get3A_364, %get3A_365] {strides = array<i32>} : memref<400x128xf32, #tpu.memory_space<vmem>>, vector<1x16xf32>,
      %get3A_367 = vector.shape_cast %get3A_366 : vector<1x16xf32> to vector<16xf32>
      %gt3A_368 = arith.cmpf ogt, %get3A_367, %scan3A_315 : vector<16xf32>
      %select_n3A_369 = arith.select %gt3A_368, %get3A_367, %scan3A_315 : vector<16xi1>, vector<16xf32>
      %select_n3A_370 = arith.select %gt3A_368, %scan3A_320, %scan3A_319 : vector<16xi1>, vector<16xi32>
      %add3A_371 = arith.constant 1 : i32
      %add3A_372 = vector.broadcast %add3A_371 : i32 to vector<16xi32>
      %add3A_373 = arith.addi %scan3A_320, %add3A_372 : vector<16xi32>
      scf.yield %select_n3A_330, %select_n3A_343, %select_n3A_356, %select_n3A_369, %select_n3A_331, %select_n3A_344, %select_n3A_357, %select_n3A_370, %add3A_373 : vector<16xf32>, vector<16xf32>, vector<16xf32>, vector<16xf32>, vector<16xi32>, vector<16xi32>, vector<16xi32>, vector<16xi32>, vector<16xi32>
    }
    %scan3A_198 = arith.constant 400 : i32
    %dma_wait3A_199 = arith.constant 0 : i32
    %dma_wait3A_200 = tpu.memref_slice %arg2[%multiple_of3A_178, %dma_wait3A_199] : memref<100000x128xf32, #tpu.memory_space<hbm>> -> memref<400x128xf32, #tpu.memory_space<hbm>>
    %dma_wait3A_201 = arith.constant 0 : i32
    %dma_wait3A_202 = tpu.memref_slice %arg2[%multiple_of3A_178, %dma_wait3A_201] : memref<100000x128xf32, #tpu.memory_space<hbm>> -> memref<400x128xf32, #tpu.memory_space<hbm>>
    tpu.wait_dma2 semaphore(%arg16 : memref<!tpu.dma_semaphore, #tpu.memory_space<semaphore_mem>>) src(%dma_wait3A_202 : memref<400x128xf32, #tpu.memory_space<hbm>>) dst(%arg8 : memref<400x128xf32, #tpu.memory_space<vmem>>)
    %broadcast_in_dim3A_203 = arith.constant 0 : i32
    %broadcast_in_dim3A_204 = vector.broadcast %broadcast_in_dim3A_203 : i32 to vector<16xi32>
    %add3A_205 = arith.constant 2800 : i32
    %add3A_206 = arith.addi %multiple_of3A, %add3A_205 : i32
    %add3A_207 = vector.broadcast %add3A_206 : i32 to vector<16xi32>
    %add3A_208 = arith.addi %broadcast_in_dim3A_204, %add3A_207 : vector<16xi32>
    %scan3A_209 = arith.constant 0 : i32
    %scan3A_210 = arith.constant 400 : i32
    %scan3A_211 = arith.addi %scan3A_209, %scan3A_210 : i32
    %scan3A_212 = arith.constant 1 : i32
    %scan3A_213:9 = scf.for %scan3A_311 = %scan3A_209 to %scan3A_211 step %scan3A_212 iter_args(%scan3A_312 = %scan3A_197#0, %scan3A_313 = %scan3A_197#1, %scan3A_314 = %scan3A_197#2, %scan3A_315 = %scan3A_197#3, %scan3A_316 = %scan3A_197#4, %scan3A_317 = %scan3A_197#5, %scan3A_318 = %scan3A_197#6, %scan3A_319 = %scan3A_197#7, %scan3A_320 = %add3A_208) -> (vector<16xf32>, vector<16xf32>, vector<16xf32>, vector<16xf32>, vector<16xi32>, vector<16xi32>, vector<16xi32>, vector<16xi32>, vector<16xi32>)  : i32 {
      %mul3A_321 = arith.constant 4 : i32
      %mul3A_322 = arith.muli %arg0, %mul3A_321 : i32
      %add3A_323 = arith.constant 0 : i32
      %add3A_324 = arith.addi %mul3A_322, %add3A_323 : i32
      %mul3A_325 = arith.constant 16 : i32
      %mul3A_326 = arith.muli %add3A_324, %mul3A_325 : i32
      %get3A = arith.index_cast %scan3A_311 : i32 to index
      %get3A_327 = arith.index_cast %mul3A_326 : i32 to index
      %get3A_328 = tpu.vector_load %arg8[%get3A, %get3A_327] {strides = array<i32>} : memref<400x128xf32, #tpu.memory_space<vmem>>, vector<1x16xf32>,
      %get3A_329 = vector.shape_cast %get3A_328 : vector<1x16xf32> to vector<16xf32>
      %gt3A = arith.cmpf ogt, %get3A_329, %scan3A_312 : vector<16xf32>
      %select_n3A_330 = arith.select %gt3A, %get3A_329, %scan3A_312 : vector<16xi1>, vector<16xf32>
      %select_n3A_331 = arith.select %gt3A, %scan3A_320, %scan3A_316 : vector<16xi1>, vector<16xi32>
      %mul3A_332 = arith.constant 4 : i32
      %mul3A_333 = arith.muli %arg0, %mul3A_332 : i32
      %add3A_334 = arith.constant 1 : i32
      %add3A_335 = arith.addi %mul3A_333, %add3A_334 : i32
      %mul3A_336 = arith.constant 16 : i32
      %mul3A_337 = arith.muli %add3A_335, %mul3A_336 : i32
      %get3A_338 = arith.index_cast %scan3A_311 : i32 to index
      %get3A_339 = arith.index_cast %mul3A_337 : i32 to index
      %get3A_340 = tpu.vector_load %arg8[%get3A_338, %get3A_339] {strides = array<i32>} : memref<400x128xf32, #tpu.memory_space<vmem>>, vector<1x16xf32>,
      %get3A_341 = vector.shape_cast %get3A_340 : vector<1x16xf32> to vector<16xf32>
      %gt3A_342 = arith.cmpf ogt, %get3A_341, %scan3A_313 : vector<16xf32>
      %select_n3A_343 = arith.select %gt3A_342, %get3A_341, %scan3A_313 : vector<16xi1>, vector<16xf32>
      %select_n3A_344 = arith.select %gt3A_342, %scan3A_320, %scan3A_317 : vector<16xi1>, vector<16xi32>
      %mul3A_345 = arith.constant 4 : i32
      %mul3A_346 = arith.muli %arg0, %mul3A_345 : i32
      %add3A_347 = arith.constant 2 : i32
      %add3A_348 = arith.addi %mul3A_346, %add3A_347 : i32
      %mul3A_349 = arith.constant 16 : i32
      %mul3A_350 = arith.muli %add3A_348, %mul3A_349 : i32
      %get3A_351 = arith.index_cast %scan3A_311 : i32 to index
      %get3A_352 = arith.index_cast %mul3A_350 : i32 to index
      %get3A_353 = tpu.vector_load %arg8[%get3A_351, %get3A_352] {strides = array<i32>} : memref<400x128xf32, #tpu.memory_space<vmem>>, vector<1x16xf32>,
      %get3A_354 = vector.shape_cast %get3A_353 : vector<1x16xf32> to vector<16xf32>
      %gt3A_355 = arith.cmpf ogt, %get3A_354, %scan3A_314 : vector<16xf32>
      %select_n3A_356 = arith.select %gt3A_355, %get3A_354, %scan3A_314 : vector<16xi1>, vector<16xf32>
      %select_n3A_357 = arith.select %gt3A_355, %scan3A_320, %scan3A_318 : vector<16xi1>, vector<16xi32>
      %mul3A_358 = arith.constant 4 : i32
      %mul3A_359 = arith.muli %arg0, %mul3A_358 : i32
      %add3A_360 = arith.constant 3 : i32
      %add3A_361 = arith.addi %mul3A_359, %add3A_360 : i32
      %mul3A_362 = arith.constant 16 : i32
      %mul3A_363 = arith.muli %add3A_361, %mul3A_362 : i32
      %get3A_364 = arith.index_cast %scan3A_311 : i32 to index
      %get3A_365 = arith.index_cast %mul3A_363 : i32 to index
      %get3A_366 = tpu.vector_load %arg8[%get3A_364, %get3A_365] {strides = array<i32>} : memref<400x128xf32, #tpu.memory_space<vmem>>, vector<1x16xf32>,
      %get3A_367 = vector.shape_cast %get3A_366 : vector<1x16xf32> to vector<16xf32>
      %gt3A_368 = arith.cmpf ogt, %get3A_367, %scan3A_315 : vector<16xf32>
      %select_n3A_369 = arith.select %gt3A_368, %get3A_367, %scan3A_315 : vector<16xi1>, vector<16xf32>
      %select_n3A_370 = arith.select %gt3A_368, %scan3A_320, %scan3A_319 : vector<16xi1>, vector<16xi32>
      %add3A_371 = arith.constant 1 : i32
      %add3A_372 = vector.broadcast %add3A_371 : i32 to vector<16xi32>
      %add3A_373 = arith.addi %scan3A_320, %add3A_372 : vector<16xi32>
      scf.yield %select_n3A_330, %select_n3A_343, %select_n3A_356, %select_n3A_369, %select_n3A_331, %select_n3A_344, %select_n3A_357, %select_n3A_370, %add3A_373 : vector<16xf32>, vector<16xf32>, vector<16xf32>, vector<16xf32>, vector<16xi32>, vector<16xi32>, vector<16xi32>, vector<16xi32>, vector<16xi32>
    }
    %scan3A_214 = arith.constant 400 : i32
    %swap3A = arith.constant 0 : i32
    %swap3A_215 = arith.index_cast %swap3A : i32 to index
    %swap3A_216 = arith.constant 0 : index
    %swap3A_217 = tpu.vector_load %arg9[%swap3A_215, %swap3A_216] {strides = array<i32>} : memref<4x16xf32, #tpu.memory_space<vmem>>, vector<1x16xf32>,
    %swap3A_218 = vector.shape_cast %swap3A_217 : vector<1x16xf32> to vector<16xf32>
    %swap3A_219 = vector.shape_cast %scan3A_213#0 : vector<16xf32> to vector<1x16xf32>
    tpu.vector_store %arg9[%swap3A_215, %swap3A_216], %swap3A_219 {strides = array<i32>} : memref<4x16xf32, #tpu.memory_space<vmem>>, vector<1x16xf32>,
    %swap3A_220 = arith.constant 0 : i32
    %swap3A_221 = arith.index_cast %swap3A_220 : i32 to index
    %swap3A_222 = arith.constant 0 : index
    %swap3A_223 = tpu.vector_load %arg10[%swap3A_221, %swap3A_222] {strides = array<i32>} : memref<4x16xi32, #tpu.memory_space<vmem>>, vector<1x16xi32>,
    %swap3A_224 = vector.shape_cast %swap3A_223 : vector<1x16xi32> to vector<16xi32>
    %swap3A_225 = vector.shape_cast %scan3A_213#4 : vector<16xi32> to vector<1x16xi32>
    tpu.vector_store %arg10[%swap3A_221, %swap3A_222], %swap3A_225 {strides = array<i32>} : memref<4x16xi32, #tpu.memory_space<vmem>>, vector<1x16xi32>,
    %swap3A_226 = arith.constant 1 : i32
    %swap3A_227 = arith.index_cast %swap3A_226 : i32 to index
    %swap3A_228 = arith.constant 0 : index
    %swap3A_229 = tpu.vector_load %arg9[%swap3A_227, %swap3A_228] {strides = array<i32>} : memref<4x16xf32, #tpu.memory_space<vmem>>, vector<1x16xf32>,
    %swap3A_230 = vector.shape_cast %swap3A_229 : vector<1x16xf32> to vector<16xf32>
    %swap3A_231 = vector.shape_cast %scan3A_213#1 : vector<16xf32> to vector<1x16xf32>
    tpu.vector_store %arg9[%swap3A_227, %swap3A_228], %swap3A_231 {strides = array<i32>} : memref<4x16xf32, #tpu.memory_space<vmem>>, vector<1x16xf32>,
    %swap3A_232 = arith.constant 1 : i32
    %swap3A_233 = arith.index_cast %swap3A_232 : i32 to index
    %swap3A_234 = arith.constant 0 : index
    %swap3A_235 = tpu.vector_load %arg10[%swap3A_233, %swap3A_234] {strides = array<i32>} : memref<4x16xi32, #tpu.memory_space<vmem>>, vector<1x16xi32>,
    %swap3A_236 = vector.shape_cast %swap3A_235 : vector<1x16xi32> to vector<16xi32>
    %swap3A_237 = vector.shape_cast %scan3A_213#5 : vector<16xi32> to vector<1x16xi32>
    tpu.vector_store %arg10[%swap3A_233, %swap3A_234], %swap3A_237 {strides = array<i32>} : memref<4x16xi32, #tpu.memory_space<vmem>>, vector<1x16xi32>,
    %swap3A_238 = arith.constant 2 : i32
    %swap3A_239 = arith.index_cast %swap3A_238 : i32 to index
    %swap3A_240 = arith.constant 0 : index
    %swap3A_241 = tpu.vector_load %arg9[%swap3A_239, %swap3A_240] {strides = array<i32>} : memref<4x16xf32, #tpu.memory_space<vmem>>, vector<1x16xf32>,
    %swap3A_242 = vector.shape_cast %swap3A_241 : vector<1x16xf32> to vector<16xf32>
    %swap3A_243 = vector.shape_cast %scan3A_213#2 : vector<16xf32> to vector<1x16xf32>
    tpu.vector_store %arg9[%swap3A_239, %swap3A_240], %swap3A_243 {strides = array<i32>} : memref<4x16xf32, #tpu.memory_space<vmem>>, vector<1x16xf32>,
    %swap3A_244 = arith.constant 2 : i32
    %swap3A_245 = arith.index_cast %swap3A_244 : i32 to index
    %swap3A_246 = arith.constant 0 : index
    %swap3A_247 = tpu.vector_load %arg10[%swap3A_245, %swap3A_246] {strides = array<i32>} : memref<4x16xi32, #tpu.memory_space<vmem>>, vector<1x16xi32>,
    %swap3A_248 = vector.shape_cast %swap3A_247 : vector<1x16xi32> to vector<16xi32>
    %swap3A_249 = vector.shape_cast %scan3A_213#6 : vector<16xi32> to vector<1x16xi32>
    tpu.vector_store %arg10[%swap3A_245, %swap3A_246], %swap3A_249 {strides = array<i32>} : memref<4x16xi32, #tpu.memory_space<vmem>>, vector<1x16xi32>,
    %swap3A_250 = arith.constant 3 : i32
    %swap3A_251 = arith.index_cast %swap3A_250 : i32 to index
    %swap3A_252 = arith.constant 0 : index
    %swap3A_253 = tpu.vector_load %arg9[%swap3A_251, %swap3A_252] {strides = array<i32>} : memref<4x16xf32, #tpu.memory_space<vmem>>, vector<1x16xf32>,
    %swap3A_254 = vector.shape_cast %swap3A_253 : vector<1x16xf32> to vector<16xf32>
    %swap3A_255 = vector.shape_cast %scan3A_213#3 : vector<16xf32> to vector<1x16xf32>
    tpu.vector_store %arg9[%swap3A_251, %swap3A_252], %swap3A_255 {strides = array<i32>} : memref<4x16xf32, #tpu.memory_space<vmem>>, vector<1x16xf32>,
    %swap3A_256 = arith.constant 3 : i32
    %swap3A_257 = arith.index_cast %swap3A_256 : i32 to index
    %swap3A_258 = arith.constant 0 : index
    %swap3A_259 = tpu.vector_load %arg10[%swap3A_257, %swap3A_258] {strides = array<i32>} : memref<4x16xi32, #tpu.memory_space<vmem>>, vector<1x16xi32>,
    %swap3A_260 = vector.shape_cast %swap3A_259 : vector<1x16xi32> to vector<16xi32>
    %swap3A_261 = vector.shape_cast %scan3A_213#7 : vector<16xi32> to vector<1x16xi32>
    tpu.vector_store %arg10[%swap3A_257, %swap3A_258], %swap3A_261 {strides = array<i32>} : memref<4x16xi32, #tpu.memory_space<vmem>>, vector<1x16xi32>,
    %mul3A_262 = arith.constant 4 : i32
    %mul3A_263 = arith.muli %arg0, %mul3A_262 : i32
    %add3A_264 = arith.constant 0 : i32
    %add3A_265 = arith.addi %mul3A_263, %add3A_264 : i32
    %mul3A_266 = arith.constant 16 : i32
    %mul3A_267 = arith.muli %add3A_265, %mul3A_266 : i32
    %add3A_268 = arith.addi %mul3A_267, %arg1 : i32
    %mul3A_269 = arith.constant 16 : i32
    %mul3A_270 = arith.muli %add3A_268, %mul3A_269 : i32
    %multiple_of3A_271 = tpu.assume_multiple %mul3A_270, 8 : i32
    %run_scoped3A = arith.constant 0 : i32
    "tpu.region"() ({
      %run_scoped3A_311 = tpu.sem_alloc : memref<!tpu.dma_semaphore, #tpu.memory_space<semaphore_mem>>
      %dma_start3A_312 = arith.constant 0 : i32
      %dma_start3A_313 = tpu.memref_slice %arg9[%run_scoped3A, %dma_start3A_312] : memref<4x16xf32, #tpu.memory_space<vmem>> -> memref<1x16xf32, #tpu.memory_space<vmem>>
      %dma_start3A_314 = tpu.memref_squeeze %dma_start3A_313 : memref<1x16xf32, #tpu.memory_space<vmem>> -> memref<16xf32, #tpu.memory_space<vmem>>
      %dma_start3A_315 = tpu.memref_slice %arg5[%multiple_of3A_271] : memref<2048xf32, #tpu.memory_space<hbm>> -> memref<16xf32, #tpu.memory_space<hbm>>
      %dma_start3A_316 = tpu.memref_slice %arg5[%multiple_of3A_271] : memref<2048xf32, #tpu.memory_space<hbm>> -> memref<16xf32, #tpu.memory_space<hbm>>
      %dma_start3A_317 = arith.constant 0 : i32
      %dma_start3A_318 = tpu.memref_slice %arg9[%run_scoped3A, %dma_start3A_317] : memref<4x16xf32, #tpu.memory_space<vmem>> -> memref<1x16xf32, #tpu.memory_space<vmem>>
      %dma_start3A_319 = tpu.memref_squeeze %dma_start3A_318 : memref<1x16xf32, #tpu.memory_space<vmem>> -> memref<16xf32, #tpu.memory_space<vmem>>
      tpu.enqueue_dma source(%dma_start3A_319 : memref<16xf32, #tpu.memory_space<vmem>>) target(%dma_start3A_316 : memref<16xf32, #tpu.memory_space<hbm>>) target_semaphore(%run_scoped3A_311 : memref<!tpu.dma_semaphore, #tpu.memory_space<semaphore_mem>>)
      %dma_wait3A_320 = arith.constant 0 : i32
      %dma_wait3A_321 = tpu.memref_slice %arg9[%run_scoped3A, %dma_wait3A_320] : memref<4x16xf32, #tpu.memory_space<vmem>> -> memref<1x16xf32, #tpu.memory_space<vmem>>
      %dma_wait3A_322 = tpu.memref_squeeze %dma_wait3A_321 : memref<1x16xf32, #tpu.memory_space<vmem>> -> memref<16xf32, #tpu.memory_space<vmem>>
      %dma_wait3A_323 = tpu.memref_slice %arg5[%multiple_of3A_271] : memref<2048xf32, #tpu.memory_space<hbm>> -> memref<16xf32, #tpu.memory_space<hbm>>
      %dma_wait3A_324 = tpu.memref_slice %arg5[%multiple_of3A_271] : memref<2048xf32, #tpu.memory_space<hbm>> -> memref<16xf32, #tpu.memory_space<hbm>>
      %dma_wait3A_325 = arith.constant 0 : i32
      %dma_wait3A_326 = tpu.memref_slice %arg9[%run_scoped3A, %dma_wait3A_325] : memref<4x16xf32, #tpu.memory_space<vmem>> -> memref<1x16xf32, #tpu.memory_space<vmem>>
      %dma_wait3A_327 = tpu.memref_squeeze %dma_wait3A_326 : memref<1x16xf32, #tpu.memory_space<vmem>> -> memref<16xf32, #tpu.memory_space<vmem>>
      tpu.wait_dma2 semaphore(%run_scoped3A_311 : memref<!tpu.dma_semaphore, #tpu.memory_space<semaphore_mem>>) src(%dma_wait3A_327 : memref<16xf32, #tpu.memory_space<vmem>>) dst(%dma_wait3A_324 : memref<16xf32, #tpu.memory_space<hbm>>)
      tpu.yield
    }) : () -> ()
    %run_scoped3A_272 = arith.constant 0 : i32
    "tpu.region"() ({
      %run_scoped3A_311 = tpu.sem_alloc : memref<!tpu.dma_semaphore, #tpu.memory_space<semaphore_mem>>
      %dma_start3A_312 = arith.constant 0 : i32
      %dma_start3A_313 = tpu.memref_slice %arg10[%run_scoped3A_272, %dma_start3A_312] : memref<4x16xi32, #tpu.memory_space<vmem>> -> memref<1x16xi32, #tpu.memory_space<vmem>>
      %dma_start3A_314 = tpu.memref_squeeze %dma_start3A_313 : memref<1x16xi32, #tpu.memory_space<vmem>> -> memref<16xi32, #tpu.memory_space<vmem>>
      %dma_start3A_315 = tpu.memref_slice %arg6[%multiple_of3A_271] : memref<2048xi32, #tpu.memory_space<hbm>> -> memref<16xi32, #tpu.memory_space<hbm>>
      %dma_start3A_316 = tpu.memref_slice %arg6[%multiple_of3A_271] : memref<2048xi32, #tpu.memory_space<hbm>> -> memref<16xi32, #tpu.memory_space<hbm>>
      %dma_start3A_317 = arith.constant 0 : i32
      %dma_start3A_318 = tpu.memref_slice %arg10[%run_scoped3A_272, %dma_start3A_317] : memref<4x16xi32, #tpu.memory_space<vmem>> -> memref<1x16xi32, #tpu.memory_space<vmem>>
      %dma_start3A_319 = tpu.memref_squeeze %dma_start3A_318 : memref<1x16xi32, #tpu.memory_space<vmem>> -> memref<16xi32, #tpu.memory_space<vmem>>
      tpu.enqueue_dma source(%dma_start3A_319 : memref<16xi32, #tpu.memory_space<vmem>>) target(%dma_start3A_316 : memref<16xi32, #tpu.memory_space<hbm>>) target_semaphore(%run_scoped3A_311 : memref<!tpu.dma_semaphore, #tpu.memory_space<semaphore_mem>>)
      %dma_wait3A_320 = arith.constant 0 : i32
      %dma_wait3A_321 = tpu.memref_slice %arg10[%run_scoped3A_272, %dma_wait3A_320] : memref<4x16xi32, #tpu.memory_space<vmem>> -> memref<1x16xi32, #tpu.memory_space<vmem>>
      %dma_wait3A_322 = tpu.memref_squeeze %dma_wait3A_321 : memref<1x16xi32, #tpu.memory_space<vmem>> -> memref<16xi32, #tpu.memory_space<vmem>>
      %dma_wait3A_323 = tpu.memref_slice %arg6[%multiple_of3A_271] : memref<2048xi32, #tpu.memory_space<hbm>> -> memref<16xi32, #tpu.memory_space<hbm>>
      %dma_wait3A_324 = tpu.memref_slice %arg6[%multiple_of3A_271] : memref<2048xi32, #tpu.memory_space<hbm>> -> memref<16xi32, #tpu.memory_space<hbm>>
      %dma_wait3A_325 = arith.constant 0 : i32
      %dma_wait3A_326 = tpu.memref_slice %arg10[%run_scoped3A_272, %dma_wait3A_325] : memref<4x16xi32, #tpu.memory_space<vmem>> -> memref<1x16xi32, #tpu.memory_space<vmem>>
      %dma_wait3A_327 = tpu.memref_squeeze %dma_wait3A_326 : memref<1x16xi32, #tpu.memory_space<vmem>> -> memref<16xi32, #tpu.memory_space<vmem>>
      tpu.wait_dma2 semaphore(%run_scoped3A_311 : memref<!tpu.dma_semaphore, #tpu.memory_space<semaphore_mem>>) src(%dma_wait3A_327 : memref<16xi32, #tpu.memory_space<vmem>>) dst(%dma_wait3A_324 : memref<16xi32, #tpu.memory_space<hbm>>)
      tpu.yield
    }) : () -> ()
    %mul3A_273 = arith.constant 4 : i32
    %mul3A_274 = arith.muli %arg0, %mul3A_273 : i32
    %add3A_275 = arith.constant 1 : i32
    %add3A_276 = arith.addi %mul3A_274, %add3A_275 : i32
    %mul3A_277 = arith.constant 16 : i32
    %mul3A_278 = arith.muli %add3A_276, %mul3A_277 : i32
    %add3A_279 = arith.addi %mul3A_278, %arg1 : i32
    %mul3A_280 = arith.constant 16 : i32
    %mul3A_281 = arith.muli %add3A_279, %mul3A_280 : i32
    %multiple_of3A_282 = tpu.assume_multiple %mul3A_281, 8 : i32
    %run_scoped3A_283 = arith.constant 1 : i32
    "tpu.region"() ({
      %run_scoped3A_311 = tpu.sem_alloc : memref<!tpu.dma_semaphore, #tpu.memory_space<semaphore_mem>>
      %dma_start3A_312 = arith.constant 0 : i32
      %dma_start3A_313 = tpu.memref_slice %arg9[%run_scoped3A_283, %dma_start3A_312] : memref<4x16xf32, #tpu.memory_space<vmem>> -> memref<1x16xf32, #tpu.memory_space<vmem>>
      %dma_start3A_314 = tpu.memref_squeeze %dma_start3A_313 : memref<1x16xf32, #tpu.memory_space<vmem>> -> memref<16xf32, #tpu.memory_space<vmem>>
      %dma_start3A_315 = tpu.memref_slice %arg5[%multiple_of3A_282] : memref<2048xf32, #tpu.memory_space<hbm>> -> memref<16xf32, #tpu.memory_space<hbm>>
      %dma_start3A_316 = tpu.memref_slice %arg5[%multiple_of3A_282] : memref<2048xf32, #tpu.memory_space<hbm>> -> memref<16xf32, #tpu.memory_space<hbm>>
      %dma_start3A_317 = arith.constant 0 : i32
      %dma_start3A_318 = tpu.memref_slice %arg9[%run_scoped3A_283, %dma_start3A_317] : memref<4x16xf32, #tpu.memory_space<vmem>> -> memref<1x16xf32, #tpu.memory_space<vmem>>
      %dma_start3A_319 = tpu.memref_squeeze %dma_start3A_318 : memref<1x16xf32, #tpu.memory_space<vmem>> -> memref<16xf32, #tpu.memory_space<vmem>>
      tpu.enqueue_dma source(%dma_start3A_319 : memref<16xf32, #tpu.memory_space<vmem>>) target(%dma_start3A_316 : memref<16xf32, #tpu.memory_space<hbm>>) target_semaphore(%run_scoped3A_311 : memref<!tpu.dma_semaphore, #tpu.memory_space<semaphore_mem>>)
      %dma_wait3A_320 = arith.constant 0 : i32
      %dma_wait3A_321 = tpu.memref_slice %arg9[%run_scoped3A_283, %dma_wait3A_320] : memref<4x16xf32, #tpu.memory_space<vmem>> -> memref<1x16xf32, #tpu.memory_space<vmem>>
      %dma_wait3A_322 = tpu.memref_squeeze %dma_wait3A_321 : memref<1x16xf32, #tpu.memory_space<vmem>> -> memref<16xf32, #tpu.memory_space<vmem>>
      %dma_wait3A_323 = tpu.memref_slice %arg5[%multiple_of3A_282] : memref<2048xf32, #tpu.memory_space<hbm>> -> memref<16xf32, #tpu.memory_space<hbm>>
      %dma_wait3A_324 = tpu.memref_slice %arg5[%multiple_of3A_282] : memref<2048xf32, #tpu.memory_space<hbm>> -> memref<16xf32, #tpu.memory_space<hbm>>
      %dma_wait3A_325 = arith.constant 0 : i32
      %dma_wait3A_326 = tpu.memref_slice %arg9[%run_scoped3A_283, %dma_wait3A_325] : memref<4x16xf32, #tpu.memory_space<vmem>> -> memref<1x16xf32, #tpu.memory_space<vmem>>
      %dma_wait3A_327 = tpu.memref_squeeze %dma_wait3A_326 : memref<1x16xf32, #tpu.memory_space<vmem>> -> memref<16xf32, #tpu.memory_space<vmem>>
      tpu.wait_dma2 semaphore(%run_scoped3A_311 : memref<!tpu.dma_semaphore, #tpu.memory_space<semaphore_mem>>) src(%dma_wait3A_327 : memref<16xf32, #tpu.memory_space<vmem>>) dst(%dma_wait3A_324 : memref<16xf32, #tpu.memory_space<hbm>>)
      tpu.yield
    }) : () -> ()
    %run_scoped3A_284 = arith.constant 1 : i32
    "tpu.region"() ({
      %run_scoped3A_311 = tpu.sem_alloc : memref<!tpu.dma_semaphore, #tpu.memory_space<semaphore_mem>>
      %dma_start3A_312 = arith.constant 0 : i32
      %dma_start3A_313 = tpu.memref_slice %arg10[%run_scoped3A_284, %dma_start3A_312] : memref<4x16xi32, #tpu.memory_space<vmem>> -> memref<1x16xi32, #tpu.memory_space<vmem>>
      %dma_start3A_314 = tpu.memref_squeeze %dma_start3A_313 : memref<1x16xi32, #tpu.memory_space<vmem>> -> memref<16xi32, #tpu.memory_space<vmem>>
      %dma_start3A_315 = tpu.memref_slice %arg6[%multiple_of3A_282] : memref<2048xi32, #tpu.memory_space<hbm>> -> memref<16xi32, #tpu.memory_space<hbm>>
      %dma_start3A_316 = tpu.memref_slice %arg6[%multiple_of3A_282] : memref<2048xi32, #tpu.memory_space<hbm>> -> memref<16xi32, #tpu.memory_space<hbm>>
      %dma_start3A_317 = arith.constant 0 : i32
      %dma_start3A_318 = tpu.memref_slice %arg10[%run_scoped3A_284, %dma_start3A_317] : memref<4x16xi32, #tpu.memory_space<vmem>> -> memref<1x16xi32, #tpu.memory_space<vmem>>
      %dma_start3A_319 = tpu.memref_squeeze %dma_start3A_318 : memref<1x16xi32, #tpu.memory_space<vmem>> -> memref<16xi32, #tpu.memory_space<vmem>>
      tpu.enqueue_dma source(%dma_start3A_319 : memref<16xi32, #tpu.memory_space<vmem>>) target(%dma_start3A_316 : memref<16xi32, #tpu.memory_space<hbm>>) target_semaphore(%run_scoped3A_311 : memref<!tpu.dma_semaphore, #tpu.memory_space<semaphore_mem>>)
      %dma_wait3A_320 = arith.constant 0 : i32
      %dma_wait3A_321 = tpu.memref_slice %arg10[%run_scoped3A_284, %dma_wait3A_320] : memref<4x16xi32, #tpu.memory_space<vmem>> -> memref<1x16xi32, #tpu.memory_space<vmem>>
      %dma_wait3A_322 = tpu.memref_squeeze %dma_wait3A_321 : memref<1x16xi32, #tpu.memory_space<vmem>> -> memref<16xi32, #tpu.memory_space<vmem>>
      %dma_wait3A_323 = tpu.memref_slice %arg6[%multiple_of3A_282] : memref<2048xi32, #tpu.memory_space<hbm>> -> memref<16xi32, #tpu.memory_space<hbm>>
      %dma_wait3A_324 = tpu.memref_slice %arg6[%multiple_of3A_282] : memref<2048xi32, #tpu.memory_space<hbm>> -> memref<16xi32, #tpu.memory_space<hbm>>
      %dma_wait3A_325 = arith.constant 0 : i32
      %dma_wait3A_326 = tpu.memref_slice %arg10[%run_scoped3A_284, %dma_wait3A_325] : memref<4x16xi32, #tpu.memory_space<vmem>> -> memref<1x16xi32, #tpu.memory_space<vmem>>
      %dma_wait3A_327 = tpu.memref_squeeze %dma_wait3A_326 : memref<1x16xi32, #tpu.memory_space<vmem>> -> memref<16xi32, #tpu.memory_space<vmem>>
      tpu.wait_dma2 semaphore(%run_scoped3A_311 : memref<!tpu.dma_semaphore, #tpu.memory_space<semaphore_mem>>) src(%dma_wait3A_327 : memref<16xi32, #tpu.memory_space<vmem>>) dst(%dma_wait3A_324 : memref<16xi32, #tpu.memory_space<hbm>>)
      tpu.yield
    }) : () -> ()
    %mul3A_285 = arith.constant 4 : i32
    %mul3A_286 = arith.muli %arg0, %mul3A_285 : i32
    %add3A_287 = arith.constant 2 : i32
    %add3A_288 = arith.addi %mul3A_286, %add3A_287 : i32
    %mul3A_289 = arith.constant 16 : i32
    %mul3A_290 = arith.muli %add3A_288, %mul3A_289 : i32
    %add3A_291 = arith.addi %mul3A_290, %arg1 : i32
    %mul3A_292 = arith.constant 16 : i32
    %mul3A_293 = arith.muli %add3A_291, %mul3A_292 : i32
    %multiple_of3A_294 = tpu.assume_multiple %mul3A_293, 8 : i32
    %run_scoped3A_295 = arith.constant 2 : i32
    "tpu.region"() ({
      %run_scoped3A_311 = tpu.sem_alloc : memref<!tpu.dma_semaphore, #tpu.memory_space<semaphore_mem>>
      %dma_start3A_312 = arith.constant 0 : i32
      %dma_start3A_313 = tpu.memref_slice %arg9[%run_scoped3A_295, %dma_start3A_312] : memref<4x16xf32, #tpu.memory_space<vmem>> -> memref<1x16xf32, #tpu.memory_space<vmem>>
      %dma_start3A_314 = tpu.memref_squeeze %dma_start3A_313 : memref<1x16xf32, #tpu.memory_space<vmem>> -> memref<16xf32, #tpu.memory_space<vmem>>
      %dma_start3A_315 = tpu.memref_slice %arg5[%multiple_of3A_294] : memref<2048xf32, #tpu.memory_space<hbm>> -> memref<16xf32, #tpu.memory_space<hbm>>
      %dma_start3A_316 = tpu.memref_slice %arg5[%multiple_of3A_294] : memref<2048xf32, #tpu.memory_space<hbm>> -> memref<16xf32, #tpu.memory_space<hbm>>
      %dma_start3A_317 = arith.constant 0 : i32
      %dma_start3A_318 = tpu.memref_slice %arg9[%run_scoped3A_295, %dma_start3A_317] : memref<4x16xf32, #tpu.memory_space<vmem>> -> memref<1x16xf32, #tpu.memory_space<vmem>>
      %dma_start3A_319 = tpu.memref_squeeze %dma_start3A_318 : memref<1x16xf32, #tpu.memory_space<vmem>> -> memref<16xf32, #tpu.memory_space<vmem>>
      tpu.enqueue_dma source(%dma_start3A_319 : memref<16xf32, #tpu.memory_space<vmem>>) target(%dma_start3A_316 : memref<16xf32, #tpu.memory_space<hbm>>) target_semaphore(%run_scoped3A_311 : memref<!tpu.dma_semaphore, #tpu.memory_space<semaphore_mem>>)
      %dma_wait3A_320 = arith.constant 0 : i32
      %dma_wait3A_321 = tpu.memref_slice %arg9[%run_scoped3A_295, %dma_wait3A_320] : memref<4x16xf32, #tpu.memory_space<vmem>> -> memref<1x16xf32, #tpu.memory_space<vmem>>
      %dma_wait3A_322 = tpu.memref_squeeze %dma_wait3A_321 : memref<1x16xf32, #tpu.memory_space<vmem>> -> memref<16xf32, #tpu.memory_space<vmem>>
      %dma_wait3A_323 = tpu.memref_slice %arg5[%multiple_of3A_294] : memref<2048xf32, #tpu.memory_space<hbm>> -> memref<16xf32, #tpu.memory_space<hbm>>
      %dma_wait3A_324 = tpu.memref_slice %arg5[%multiple_of3A_294] : memref<2048xf32, #tpu.memory_space<hbm>> -> memref<16xf32, #tpu.memory_space<hbm>>
      %dma_wait3A_325 = arith.constant 0 : i32
      %dma_wait3A_326 = tpu.memref_slice %arg9[%run_scoped3A_295, %dma_wait3A_325] : memref<4x16xf32, #tpu.memory_space<vmem>> -> memref<1x16xf32, #tpu.memory_space<vmem>>
      %dma_wait3A_327 = tpu.memref_squeeze %dma_wait3A_326 : memref<1x16xf32, #tpu.memory_space<vmem>> -> memref<16xf32, #tpu.memory_space<vmem>>
      tpu.wait_dma2 semaphore(%run_scoped3A_311 : memref<!tpu.dma_semaphore, #tpu.memory_space<semaphore_mem>>) src(%dma_wait3A_327 : memref<16xf32, #tpu.memory_space<vmem>>) dst(%dma_wait3A_324 : memref<16xf32, #tpu.memory_space<hbm>>)
      tpu.yield
    }) : () -> ()
    %run_scoped3A_296 = arith.constant 2 : i32
    "tpu.region"() ({
      %run_scoped3A_311 = tpu.sem_alloc : memref<!tpu.dma_semaphore, #tpu.memory_space<semaphore_mem>>
      %dma_start3A_312 = arith.constant 0 : i32
      %dma_start3A_313 = tpu.memref_slice %arg10[%run_scoped3A_296, %dma_start3A_312] : memref<4x16xi32, #tpu.memory_space<vmem>> -> memref<1x16xi32, #tpu.memory_space<vmem>>
      %dma_start3A_314 = tpu.memref_squeeze %dma_start3A_313 : memref<1x16xi32, #tpu.memory_space<vmem>> -> memref<16xi32, #tpu.memory_space<vmem>>
      %dma_start3A_315 = tpu.memref_slice %arg6[%multiple_of3A_294] : memref<2048xi32, #tpu.memory_space<hbm>> -> memref<16xi32, #tpu.memory_space<hbm>>
      %dma_start3A_316 = tpu.memref_slice %arg6[%multiple_of3A_294] : memref<2048xi32, #tpu.memory_space<hbm>> -> memref<16xi32, #tpu.memory_space<hbm>>
      %dma_start3A_317 = arith.constant 0 : i32
      %dma_start3A_318 = tpu.memref_slice %arg10[%run_scoped3A_296, %dma_start3A_317] : memref<4x16xi32, #tpu.memory_space<vmem>> -> memref<1x16xi32, #tpu.memory_space<vmem>>
      %dma_start3A_319 = tpu.memref_squeeze %dma_start3A_318 : memref<1x16xi32, #tpu.memory_space<vmem>> -> memref<16xi32, #tpu.memory_space<vmem>>
      tpu.enqueue_dma source(%dma_start3A_319 : memref<16xi32, #tpu.memory_space<vmem>>) target(%dma_start3A_316 : memref<16xi32, #tpu.memory_space<hbm>>) target_semaphore(%run_scoped3A_311 : memref<!tpu.dma_semaphore, #tpu.memory_space<semaphore_mem>>)
      %dma_wait3A_320 = arith.constant 0 : i32
      %dma_wait3A_321 = tpu.memref_slice %arg10[%run_scoped3A_296, %dma_wait3A_320] : memref<4x16xi32, #tpu.memory_space<vmem>> -> memref<1x16xi32, #tpu.memory_space<vmem>>
      %dma_wait3A_322 = tpu.memref_squeeze %dma_wait3A_321 : memref<1x16xi32, #tpu.memory_space<vmem>> -> memref<16xi32, #tpu.memory_space<vmem>>
      %dma_wait3A_323 = tpu.memref_slice %arg6[%multiple_of3A_294] : memref<2048xi32, #tpu.memory_space<hbm>> -> memref<16xi32, #tpu.memory_space<hbm>>
      %dma_wait3A_324 = tpu.memref_slice %arg6[%multiple_of3A_294] : memref<2048xi32, #tpu.memory_space<hbm>> -> memref<16xi32, #tpu.memory_space<hbm>>
      %dma_wait3A_325 = arith.constant 0 : i32
      %dma_wait3A_326 = tpu.memref_slice %arg10[%run_scoped3A_296, %dma_wait3A_325] : memref<4x16xi32, #tpu.memory_space<vmem>> -> memref<1x16xi32, #tpu.memory_space<vmem>>
      %dma_wait3A_327 = tpu.memref_squeeze %dma_wait3A_326 : memref<1x16xi32, #tpu.memory_space<vmem>> -> memref<16xi32, #tpu.memory_space<vmem>>
      tpu.wait_dma2 semaphore(%run_scoped3A_311 : memref<!tpu.dma_semaphore, #tpu.memory_space<semaphore_mem>>) src(%dma_wait3A_327 : memref<16xi32, #tpu.memory_space<vmem>>) dst(%dma_wait3A_324 : memref<16xi32, #tpu.memory_space<hbm>>)
      tpu.yield
    }) : () -> ()
    %mul3A_297 = arith.constant 4 : i32
    %mul3A_298 = arith.muli %arg0, %mul3A_297 : i32
    %add3A_299 = arith.constant 3 : i32
    %add3A_300 = arith.addi %mul3A_298, %add3A_299 : i32
    %mul3A_301 = arith.constant 16 : i32
    %mul3A_302 = arith.muli %add3A_300, %mul3A_301 : i32
    %add3A_303 = arith.addi %mul3A_302, %arg1 : i32
    %mul3A_304 = arith.constant 16 : i32
    %mul3A_305 = arith.muli %add3A_303, %mul3A_304 : i32
    %multiple_of3A_306 = tpu.assume_multiple %mul3A_305, 8 : i32
    %run_scoped3A_307 = arith.constant 3 : i32
    "tpu.region"() ({
      %run_scoped3A_311 = tpu.sem_alloc : memref<!tpu.dma_semaphore, #tpu.memory_space<semaphore_mem>>
      %dma_start3A_312 = arith.constant 0 : i32
      %dma_start3A_313 = tpu.memref_slice %arg9[%run_scoped3A_307, %dma_start3A_312] : memref<4x16xf32, #tpu.memory_space<vmem>> -> memref<1x16xf32, #tpu.memory_space<vmem>>
      %dma_start3A_314 = tpu.memref_squeeze %dma_start3A_313 : memref<1x16xf32, #tpu.memory_space<vmem>> -> memref<16xf32, #tpu.memory_space<vmem>>
      %dma_start3A_315 = tpu.memref_slice %arg5[%multiple_of3A_306] : memref<2048xf32, #tpu.memory_space<hbm>> -> memref<16xf32, #tpu.memory_space<hbm>>
      %dma_start3A_316 = tpu.memref_slice %arg5[%multiple_of3A_306] : memref<2048xf32, #tpu.memory_space<hbm>> -> memref<16xf32, #tpu.memory_space<hbm>>
      %dma_start3A_317 = arith.constant 0 : i32
      %dma_start3A_318 = tpu.memref_slice %arg9[%run_scoped3A_307, %dma_start3A_317] : memref<4x16xf32, #tpu.memory_space<vmem>> -> memref<1x16xf32, #tpu.memory_space<vmem>>
      %dma_start3A_319 = tpu.memref_squeeze %dma_start3A_318 : memref<1x16xf32, #tpu.memory_space<vmem>> -> memref<16xf32, #tpu.memory_space<vmem>>
      tpu.enqueue_dma source(%dma_start3A_319 : memref<16xf32, #tpu.memory_space<vmem>>) target(%dma_start3A_316 : memref<16xf32, #tpu.memory_space<hbm>>) target_semaphore(%run_scoped3A_311 : memref<!tpu.dma_semaphore, #tpu.memory_space<semaphore_mem>>)
      %dma_wait3A_320 = arith.constant 0 : i32
      %dma_wait3A_321 = tpu.memref_slice %arg9[%run_scoped3A_307, %dma_wait3A_320] : memref<4x16xf32, #tpu.memory_space<vmem>> -> memref<1x16xf32, #tpu.memory_space<vmem>>
      %dma_wait3A_322 = tpu.memref_squeeze %dma_wait3A_321 : memref<1x16xf32, #tpu.memory_space<vmem>> -> memref<16xf32, #tpu.memory_space<vmem>>
      %dma_wait3A_323 = tpu.memref_slice %arg5[%multiple_of3A_306] : memref<2048xf32, #tpu.memory_space<hbm>> -> memref<16xf32, #tpu.memory_space<hbm>>
      %dma_wait3A_324 = tpu.memref_slice %arg5[%multiple_of3A_306] : memref<2048xf32, #tpu.memory_space<hbm>> -> memref<16xf32, #tpu.memory_space<hbm>>
      %dma_wait3A_325 = arith.constant 0 : i32
      %dma_wait3A_326 = tpu.memref_slice %arg9[%run_scoped3A_307, %dma_wait3A_325] : memref<4x16xf32, #tpu.memory_space<vmem>> -> memref<1x16xf32, #tpu.memory_space<vmem>>
      %dma_wait3A_327 = tpu.memref_squeeze %dma_wait3A_326 : memref<1x16xf32, #tpu.memory_space<vmem>> -> memref<16xf32, #tpu.memory_space<vmem>>
      tpu.wait_dma2 semaphore(%run_scoped3A_311 : memref<!tpu.dma_semaphore, #tpu.memory_space<semaphore_mem>>) src(%dma_wait3A_327 : memref<16xf32, #tpu.memory_space<vmem>>) dst(%dma_wait3A_324 : memref<16xf32, #tpu.memory_space<hbm>>)
      tpu.yield
    }) : () -> ()
    %run_scoped3A_308 = arith.constant 3 : i32
    "tpu.region"() ({
      %run_scoped3A_311 = tpu.sem_alloc : memref<!tpu.dma_semaphore, #tpu.memory_space<semaphore_mem>>
      %dma_start3A_312 = arith.constant 0 : i32
      %dma_start3A_313 = tpu.memref_slice %arg10[%run_scoped3A_308, %dma_start3A_312] : memref<4x16xi32, #tpu.memory_space<vmem>> -> memref<1x16xi32, #tpu.memory_space<vmem>>
      %dma_start3A_314 = tpu.memref_squeeze %dma_start3A_313 : memref<1x16xi32, #tpu.memory_space<vmem>> -> memref<16xi32, #tpu.memory_space<vmem>>
      %dma_start3A_315 = tpu.memref_slice %arg6[%multiple_of3A_306] : memref<2048xi32, #tpu.memory_space<hbm>> -> memref<16xi32, #tpu.memory_space<hbm>>
      %dma_start3A_316 = tpu.memref_slice %arg6[%multiple_of3A_306] : memref<2048xi32, #tpu.memory_space<hbm>> -> memref<16xi32, #tpu.memory_space<hbm>>
      %dma_start3A_317 = arith.constant 0 : i32
      %dma_start3A_318 = tpu.memref_slice %arg10[%run_scoped3A_308, %dma_start3A_317] : memref<4x16xi32, #tpu.memory_space<vmem>> -> memref<1x16xi32, #tpu.memory_space<vmem>>
      %dma_start3A_319 = tpu.memref_squeeze %dma_start3A_318 : memref<1x16xi32, #tpu.memory_space<vmem>> -> memref<16xi32, #tpu.memory_space<vmem>>
      tpu.enqueue_dma source(%dma_start3A_319 : memref<16xi32, #tpu.memory_space<vmem>>) target(%dma_start3A_316 : memref<16xi32, #tpu.memory_space<hbm>>) target_semaphore(%run_scoped3A_311 : memref<!tpu.dma_semaphore, #tpu.memory_space<semaphore_mem>>)
      %dma_wait3A_320 = arith.constant 0 : i32
      %dma_wait3A_321 = tpu.memref_slice %arg10[%run_scoped3A_308, %dma_wait3A_320] : memref<4x16xi32, #tpu.memory_space<vmem>> -> memref<1x16xi32, #tpu.memory_space<vmem>>
      %dma_wait3A_322 = tpu.memref_squeeze %dma_wait3A_321 : memref<1x16xi32, #tpu.memory_space<vmem>> -> memref<16xi32, #tpu.memory_space<vmem>>
      %dma_wait3A_323 = tpu.memref_slice %arg6[%multiple_of3A_306] : memref<2048xi32, #tpu.memory_space<hbm>> -> memref<16xi32, #tpu.memory_space<hbm>>
      %dma_wait3A_324 = tpu.memref_slice %arg6[%multiple_of3A_306] : memref<2048xi32, #tpu.memory_space<hbm>> -> memref<16xi32, #tpu.memory_space<hbm>>
      %dma_wait3A_325 = arith.constant 0 : i32
      %dma_wait3A_326 = tpu.memref_slice %arg10[%run_scoped3A_308, %dma_wait3A_325] : memref<4x16xi32, #tpu.memory_space<vmem>> -> memref<1x16xi32, #tpu.memory_space<vmem>>
      %dma_wait3A_327 = tpu.memref_squeeze %dma_wait3A_326 : memref<1x16xi32, #tpu.memory_space<vmem>> -> memref<16xi32, #tpu.memory_space<vmem>>
      tpu.wait_dma2 semaphore(%run_scoped3A_311 : memref<!tpu.dma_semaphore, #tpu.memory_space<semaphore_mem>>) src(%dma_wait3A_327 : memref<16xi32, #tpu.memory_space<vmem>>) dst(%dma_wait3A_324 : memref<16xi32, #tpu.memory_space<hbm>>)
      tpu.yield
    }) : () -> ()
    %barrier3A = arith.constant 0 : index
    tpu.barrier barrier_id(%barrier3A)
    %lt3A = arith.constant 4 : i32
    %lt3A_309 = arith.cmpi slt, %arg1, %lt3A : i32
    %convert_element_type3A = arith.extui %lt3A_309 : i1 to i32
    %cond3A = arith.constant 0 : i32
    %cond3A_310 = arith.cmpi ne, %convert_element_type3A, %cond3A : i32
    scf.if %cond3A_310 {
      %mul3A_311 = arith.constant 4 : i32
      %mul3A_312 = arith.muli %arg0, %mul3A_311 : i32
      %add3A_313 = arith.addi %mul3A_312, %arg1 : i32
      %mul3A_314 = arith.constant 16 : i32
      %mul3A_315 = arith.muli %add3A_313, %mul3A_314 : i32
      %mul3A_316 = arith.constant 16 : i32
      %mul3A_317 = arith.muli %mul3A_315, %mul3A_316 : i32
      %multiple_of3A_318 = tpu.assume_multiple %mul3A_317, 8 : i32
      %dma_start3A_319 = tpu.memref_slice %arg5[%multiple_of3A_318] : memref<2048xf32, #tpu.memory_space<hbm>> -> memref<256xf32, #tpu.memory_space<hbm>>
      %dma_start3A_320 = tpu.memref_slice %arg5[%multiple_of3A_318] : memref<2048xf32, #tpu.memory_space<hbm>> -> memref<256xf32, #tpu.memory_space<hbm>>
      tpu.enqueue_dma source(%dma_start3A_320 : memref<256xf32, #tpu.memory_space<hbm>>) target(%arg11 : memref<256xf32, #tpu.memory_space<vmem>>) target_semaphore(%arg17 : memref<!tpu.dma_semaphore, #tpu.memory_space<semaphore_mem>>)
      %dma_wait3A_321 = tpu.memref_slice %arg5[%multiple_of3A_318] : memref<2048xf32, #tpu.memory_space<hbm>> -> memref<256xf32, #tpu.memory_space<hbm>>
      %dma_wait3A_322 = tpu.memref_slice %arg5[%multiple_of3A_318] : memref<2048xf32, #tpu.memory_space<hbm>> -> memref<256xf32, #tpu.memory_space<hbm>>
      tpu.wait_dma2 semaphore(%arg17 : memref<!tpu.dma_semaphore, #tpu.memory_space<semaphore_mem>>) src(%dma_wait3A_322 : memref<256xf32, #tpu.memory_space<hbm>>) dst(%arg11 : memref<256xf32, #tpu.memory_space<vmem>>)
      %dma_start3A_323 = tpu.memref_slice %arg6[%multiple_of3A_318] : memref<2048xi32, #tpu.memory_space<hbm>> -> memref<256xi32, #tpu.memory_space<hbm>>
      %dma_start3A_324 = tpu.memref_slice %arg6[%multiple_of3A_318] : memref<2048xi32, #tpu.memory_space<hbm>> -> memref<256xi32, #tpu.memory_space<hbm>>
      tpu.enqueue_dma source(%dma_start3A_324 : memref<256xi32, #tpu.memory_space<hbm>>) target(%arg12 : memref<256xi32, #tpu.memory_space<vmem>>) target_semaphore(%arg17 : memref<!tpu.dma_semaphore, #tpu.memory_space<semaphore_mem>>)
      %dma_wait3A_325 = tpu.memref_slice %arg6[%multiple_of3A_318] : memref<2048xi32, #tpu.memory_space<hbm>> -> memref<256xi32, #tpu.memory_space<hbm>>
      %dma_wait3A_326 = tpu.memref_slice %arg6[%multiple_of3A_318] : memref<2048xi32, #tpu.memory_space<hbm>> -> memref<256xi32, #tpu.memory_space<hbm>>
      tpu.wait_dma2 semaphore(%arg17 : memref<!tpu.dma_semaphore, #tpu.memory_space<semaphore_mem>>) src(%dma_wait3A_326 : memref<256xi32, #tpu.memory_space<hbm>>) dst(%arg12 : memref<256xi32, #tpu.memory_space<vmem>>)
      %get3A = arith.constant 0 : index
      %get3A_327 = tpu.vector_load %arg11[%get3A] {strides = array<i32>} : memref<256xf32, #tpu.memory_space<vmem>>, vector<16xf32>,
      %get3A_328 = vector.shape_cast %get3A_327 : vector<16xf32> to vector<16xf32>
      %get3A_329 = arith.constant 0 : index
      %get3A_330 = tpu.vector_load %arg12[%get3A_329] {strides = array<i32>} : memref<256xi32, #tpu.memory_space<vmem>>, vector<16xi32>,
      %get3A_331 = vector.shape_cast %get3A_330 : vector<16xi32> to vector<16xi32>
      %get3A_332 = arith.constant 16 : index
      %get3A_333 = tpu.vector_load %arg11[%get3A_332] {strides = array<i32>} : memref<256xf32, #tpu.memory_space<vmem>>, vector<16xf32>,
      %get3A_334 = vector.shape_cast %get3A_333 : vector<16xf32> to vector<16xf32>
      %get3A_335 = arith.constant 16 : index
      %get3A_336 = tpu.vector_load %arg12[%get3A_335] {strides = array<i32>} : memref<256xi32, #tpu.memory_space<vmem>>, vector<16xi32>,
      %get3A_337 = vector.shape_cast %get3A_336 : vector<16xi32> to vector<16xi32>
      %gt3A = arith.cmpf ogt, %get3A_334, %get3A_328 : vector<16xf32>
      %eq3A = arith.cmpf oeq, %get3A_334, %get3A_328 : vector<16xf32>
      %lt3A_338 = arith.cmpi slt, %get3A_337, %get3A_331 : vector<16xi32>
      %and3A_339 = arith.andi %eq3A, %lt3A_338 : vector<16xi1>
      %or3A = arith.ori %gt3A, %and3A_339 : vector<16xi1>
      %select_n3A_340 = arith.select %or3A, %get3A_334, %get3A_328 : vector<16xi1>, vector<16xf32>
      %select_n3A_341 = arith.select %or3A, %get3A_337, %get3A_331 : vector<16xi1>, vector<16xi32>
      %get3A_342 = arith.constant 32 : index
      %get3A_343 = tpu.vector_load %arg11[%get3A_342] {strides = array<i32>} : memref<256xf32, #tpu.memory_space<vmem>>, vector<16xf32>,
      %get3A_344 = vector.shape_cast %get3A_343 : vector<16xf32> to vector<16xf32>
      %get3A_345 = arith.constant 32 : index
      %get3A_346 = tpu.vector_load %arg12[%get3A_345] {strides = array<i32>} : memref<256xi32, #tpu.memory_space<vmem>>, vector<16xi32>,
      %get3A_347 = vector.shape_cast %get3A_346 : vector<16xi32> to vector<16xi32>
      %gt3A_348 = arith.cmpf ogt, %get3A_344, %select_n3A_340 : vector<16xf32>
      %eq3A_349 = arith.cmpf oeq, %get3A_344, %select_n3A_340 : vector<16xf32>
      %lt3A_350 = arith.cmpi slt, %get3A_347, %select_n3A_341 : vector<16xi32>
      %and3A_351 = arith.andi %eq3A_349, %lt3A_350 : vector<16xi1>
      %or3A_352 = arith.ori %gt3A_348, %and3A_351 : vector<16xi1>
      %select_n3A_353 = arith.select %or3A_352, %get3A_344, %select_n3A_340 : vector<16xi1>, vector<16xf32>
      %select_n3A_354 = arith.select %or3A_352, %get3A_347, %select_n3A_341 : vector<16xi1>, vector<16xi32>
      %get3A_355 = arith.constant 48 : index
      %get3A_356 = tpu.vector_load %arg11[%get3A_355] {strides = array<i32>} : memref<256xf32, #tpu.memory_space<vmem>>, vector<16xf32>,
      %get3A_357 = vector.shape_cast %get3A_356 : vector<16xf32> to vector<16xf32>
      %get3A_358 = arith.constant 48 : index
      %get3A_359 = tpu.vector_load %arg12[%get3A_358] {strides = array<i32>} : memref<256xi32, #tpu.memory_space<vmem>>, vector<16xi32>,
      %get3A_360 = vector.shape_cast %get3A_359 : vector<16xi32> to vector<16xi32>
      %gt3A_361 = arith.cmpf ogt, %get3A_357, %select_n3A_353 : vector<16xf32>
      %eq3A_362 = arith.cmpf oeq, %get3A_357, %select_n3A_353 : vector<16xf32>
      %lt3A_363 = arith.cmpi slt, %get3A_360, %select_n3A_354 : vector<16xi32>
      %and3A_364 = arith.andi %eq3A_362, %lt3A_363 : vector<16xi1>
      %or3A_365 = arith.ori %gt3A_361, %and3A_364 : vector<16xi1>
      %select_n3A_366 = arith.select %or3A_365, %get3A_357, %select_n3A_353 : vector<16xi1>, vector<16xf32>
      %select_n3A_367 = arith.select %or3A_365, %get3A_360, %select_n3A_354 : vector<16xi1>, vector<16xi32>
      %get3A_368 = arith.constant 64 : index
      %get3A_369 = tpu.vector_load %arg11[%get3A_368] {strides = array<i32>} : memref<256xf32, #tpu.memory_space<vmem>>, vector<16xf32>,
      %get3A_370 = vector.shape_cast %get3A_369 : vector<16xf32> to vector<16xf32>
      %get3A_371 = arith.constant 64 : index
      %get3A_372 = tpu.vector_load %arg12[%get3A_371] {strides = array<i32>} : memref<256xi32, #tpu.memory_space<vmem>>, vector<16xi32>,
      %get3A_373 = vector.shape_cast %get3A_372 : vector<16xi32> to vector<16xi32>
      %gt3A_374 = arith.cmpf ogt, %get3A_370, %select_n3A_366 : vector<16xf32>
      %eq3A_375 = arith.cmpf oeq, %get3A_370, %select_n3A_366 : vector<16xf32>
      %lt3A_376 = arith.cmpi slt, %get3A_373, %select_n3A_367 : vector<16xi32>
      %and3A_377 = arith.andi %eq3A_375, %lt3A_376 : vector<16xi1>
      %or3A_378 = arith.ori %gt3A_374, %and3A_377 : vector<16xi1>
      %select_n3A_379 = arith.select %or3A_378, %get3A_370, %select_n3A_366 : vector<16xi1>, vector<16xf32>
      %select_n3A_380 = arith.select %or3A_378, %get3A_373, %select_n3A_367 : vector<16xi1>, vector<16xi32>
      %get3A_381 = arith.constant 80 : index
      %get3A_382 = tpu.vector_load %arg11[%get3A_381] {strides = array<i32>} : memref<256xf32, #tpu.memory_space<vmem>>, vector<16xf32>,
      %get3A_383 = vector.shape_cast %get3A_382 : vector<16xf32> to vector<16xf32>
      %get3A_384 = arith.constant 80 : index
      %get3A_385 = tpu.vector_load %arg12[%get3A_384] {strides = array<i32>} : memref<256xi32, #tpu.memory_space<vmem>>, vector<16xi32>,
      %get3A_386 = vector.shape_cast %get3A_385 : vector<16xi32> to vector<16xi32>
      %gt3A_387 = arith.cmpf ogt, %get3A_383, %select_n3A_379 : vector<16xf32>
      %eq3A_388 = arith.cmpf oeq, %get3A_383, %select_n3A_379 : vector<16xf32>
      %lt3A_389 = arith.cmpi slt, %get3A_386, %select_n3A_380 : vector<16xi32>
      %and3A_390 = arith.andi %eq3A_388, %lt3A_389 : vector<16xi1>
      %or3A_391 = arith.ori %gt3A_387, %and3A_390 : vector<16xi1>
      %select_n3A_392 = arith.select %or3A_391, %get3A_383, %select_n3A_379 : vector<16xi1>, vector<16xf32>
      %select_n3A_393 = arith.select %or3A_391, %get3A_386, %select_n3A_380 : vector<16xi1>, vector<16xi32>
      %get3A_394 = arith.constant 96 : index
      %get3A_395 = tpu.vector_load %arg11[%get3A_394] {strides = array<i32>} : memref<256xf32, #tpu.memory_space<vmem>>, vector<16xf32>,
      %get3A_396 = vector.shape_cast %get3A_395 : vector<16xf32> to vector<16xf32>
      %get3A_397 = arith.constant 96 : index
      %get3A_398 = tpu.vector_load %arg12[%get3A_397] {strides = array<i32>} : memref<256xi32, #tpu.memory_space<vmem>>, vector<16xi32>,
      %get3A_399 = vector.shape_cast %get3A_398 : vector<16xi32> to vector<16xi32>
      %gt3A_400 = arith.cmpf ogt, %get3A_396, %select_n3A_392 : vector<16xf32>
      %eq3A_401 = arith.cmpf oeq, %get3A_396, %select_n3A_392 : vector<16xf32>
      %lt3A_402 = arith.cmpi slt, %get3A_399, %select_n3A_393 : vector<16xi32>
      %and3A_403 = arith.andi %eq3A_401, %lt3A_402 : vector<16xi1>
      %or3A_404 = arith.ori %gt3A_400, %and3A_403 : vector<16xi1>
      %select_n3A_405 = arith.select %or3A_404, %get3A_396, %select_n3A_392 : vector<16xi1>, vector<16xf32>
      %select_n3A_406 = arith.select %or3A_404, %get3A_399, %select_n3A_393 : vector<16xi1>, vector<16xi32>
      %get3A_407 = arith.constant 112 : index
      %get3A_408 = tpu.vector_load %arg11[%get3A_407] {strides = array<i32>} : memref<256xf32, #tpu.memory_space<vmem>>, vector<16xf32>,
      %get3A_409 = vector.shape_cast %get3A_408 : vector<16xf32> to vector<16xf32>
      %get3A_410 = arith.constant 112 : index
      %get3A_411 = tpu.vector_load %arg12[%get3A_410] {strides = array<i32>} : memref<256xi32, #tpu.memory_space<vmem>>, vector<16xi32>,
      %get3A_412 = vector.shape_cast %get3A_411 : vector<16xi32> to vector<16xi32>
      %gt3A_413 = arith.cmpf ogt, %get3A_409, %select_n3A_405 : vector<16xf32>
      %eq3A_414 = arith.cmpf oeq, %get3A_409, %select_n3A_405 : vector<16xf32>
      %lt3A_415 = arith.cmpi slt, %get3A_412, %select_n3A_406 : vector<16xi32>
      %and3A_416 = arith.andi %eq3A_414, %lt3A_415 : vector<16xi1>
      %or3A_417 = arith.ori %gt3A_413, %and3A_416 : vector<16xi1>
      %select_n3A_418 = arith.select %or3A_417, %get3A_409, %select_n3A_405 : vector<16xi1>, vector<16xf32>
      %select_n3A_419 = arith.select %or3A_417, %get3A_412, %select_n3A_406 : vector<16xi1>, vector<16xi32>
      %get3A_420 = arith.constant 128 : index
      %get3A_421 = tpu.vector_load %arg11[%get3A_420] {strides = array<i32>} : memref<256xf32, #tpu.memory_space<vmem>>, vector<16xf32>,
      %get3A_422 = vector.shape_cast %get3A_421 : vector<16xf32> to vector<16xf32>
      %get3A_423 = arith.constant 128 : index
      %get3A_424 = tpu.vector_load %arg12[%get3A_423] {strides = array<i32>} : memref<256xi32, #tpu.memory_space<vmem>>, vector<16xi32>,
      %get3A_425 = vector.shape_cast %get3A_424 : vector<16xi32> to vector<16xi32>
      %gt3A_426 = arith.cmpf ogt, %get3A_422, %select_n3A_418 : vector<16xf32>
      %eq3A_427 = arith.cmpf oeq, %get3A_422, %select_n3A_418 : vector<16xf32>
      %lt3A_428 = arith.cmpi slt, %get3A_425, %select_n3A_419 : vector<16xi32>
      %and3A_429 = arith.andi %eq3A_427, %lt3A_428 : vector<16xi1>
      %or3A_430 = arith.ori %gt3A_426, %and3A_429 : vector<16xi1>
      %select_n3A_431 = arith.select %or3A_430, %get3A_422, %select_n3A_418 : vector<16xi1>, vector<16xf32>
      %select_n3A_432 = arith.select %or3A_430, %get3A_425, %select_n3A_419 : vector<16xi1>, vector<16xi32>
      %get3A_433 = arith.constant 144 : index
      %get3A_434 = tpu.vector_load %arg11[%get3A_433] {strides = array<i32>} : memref<256xf32, #tpu.memory_space<vmem>>, vector<16xf32>,
      %get3A_435 = vector.shape_cast %get3A_434 : vector<16xf32> to vector<16xf32>
      %get3A_436 = arith.constant 144 : index
      %get3A_437 = tpu.vector_load %arg12[%get3A_436] {strides = array<i32>} : memref<256xi32, #tpu.memory_space<vmem>>, vector<16xi32>,
      %get3A_438 = vector.shape_cast %get3A_437 : vector<16xi32> to vector<16xi32>
      %gt3A_439 = arith.cmpf ogt, %get3A_435, %select_n3A_431 : vector<16xf32>
      %eq3A_440 = arith.cmpf oeq, %get3A_435, %select_n3A_431 : vector<16xf32>
      %lt3A_441 = arith.cmpi slt, %get3A_438, %select_n3A_432 : vector<16xi32>
      %and3A_442 = arith.andi %eq3A_440, %lt3A_441 : vector<16xi1>
      %or3A_443 = arith.ori %gt3A_439, %and3A_442 : vector<16xi1>
      %select_n3A_444 = arith.select %or3A_443, %get3A_435, %select_n3A_431 : vector<16xi1>, vector<16xf32>
      %select_n3A_445 = arith.select %or3A_443, %get3A_438, %select_n3A_432 : vector<16xi1>, vector<16xi32>
      %get3A_446 = arith.constant 160 : index
      %get3A_447 = tpu.vector_load %arg11[%get3A_446] {strides = array<i32>} : memref<256xf32, #tpu.memory_space<vmem>>, vector<16xf32>,
      %get3A_448 = vector.shape_cast %get3A_447 : vector<16xf32> to vector<16xf32>
      %get3A_449 = arith.constant 160 : index
      %get3A_450 = tpu.vector_load %arg12[%get3A_449] {strides = array<i32>} : memref<256xi32, #tpu.memory_space<vmem>>, vector<16xi32>,
      %get3A_451 = vector.shape_cast %get3A_450 : vector<16xi32> to vector<16xi32>
      %gt3A_452 = arith.cmpf ogt, %get3A_448, %select_n3A_444 : vector<16xf32>
      %eq3A_453 = arith.cmpf oeq, %get3A_448, %select_n3A_444 : vector<16xf32>
      %lt3A_454 = arith.cmpi slt, %get3A_451, %select_n3A_445 : vector<16xi32>
      %and3A_455 = arith.andi %eq3A_453, %lt3A_454 : vector<16xi1>
      %or3A_456 = arith.ori %gt3A_452, %and3A_455 : vector<16xi1>
      %select_n3A_457 = arith.select %or3A_456, %get3A_448, %select_n3A_444 : vector<16xi1>, vector<16xf32>
      %select_n3A_458 = arith.select %or3A_456, %get3A_451, %select_n3A_445 : vector<16xi1>, vector<16xi32>
      %get3A_459 = arith.constant 176 : index
      %get3A_460 = tpu.vector_load %arg11[%get3A_459] {strides = array<i32>} : memref<256xf32, #tpu.memory_space<vmem>>, vector<16xf32>,
      %get3A_461 = vector.shape_cast %get3A_460 : vector<16xf32> to vector<16xf32>
      %get3A_462 = arith.constant 176 : index
      %get3A_463 = tpu.vector_load %arg12[%get3A_462] {strides = array<i32>} : memref<256xi32, #tpu.memory_space<vmem>>, vector<16xi32>,
      %get3A_464 = vector.shape_cast %get3A_463 : vector<16xi32> to vector<16xi32>
      %gt3A_465 = arith.cmpf ogt, %get3A_461, %select_n3A_457 : vector<16xf32>
      %eq3A_466 = arith.cmpf oeq, %get3A_461, %select_n3A_457 : vector<16xf32>
      %lt3A_467 = arith.cmpi slt, %get3A_464, %select_n3A_458 : vector<16xi32>
      %and3A_468 = arith.andi %eq3A_466, %lt3A_467 : vector<16xi1>
      %or3A_469 = arith.ori %gt3A_465, %and3A_468 : vector<16xi1>
      %select_n3A_470 = arith.select %or3A_469, %get3A_461, %select_n3A_457 : vector<16xi1>, vector<16xf32>
      %select_n3A_471 = arith.select %or3A_469, %get3A_464, %select_n3A_458 : vector<16xi1>, vector<16xi32>
      %get3A_472 = arith.constant 192 : index
      %get3A_473 = tpu.vector_load %arg11[%get3A_472] {strides = array<i32>} : memref<256xf32, #tpu.memory_space<vmem>>, vector<16xf32>,
      %get3A_474 = vector.shape_cast %get3A_473 : vector<16xf32> to vector<16xf32>
      %get3A_475 = arith.constant 192 : index
      %get3A_476 = tpu.vector_load %arg12[%get3A_475] {strides = array<i32>} : memref<256xi32, #tpu.memory_space<vmem>>, vector<16xi32>,
      %get3A_477 = vector.shape_cast %get3A_476 : vector<16xi32> to vector<16xi32>
      %gt3A_478 = arith.cmpf ogt, %get3A_474, %select_n3A_470 : vector<16xf32>
      %eq3A_479 = arith.cmpf oeq, %get3A_474, %select_n3A_470 : vector<16xf32>
      %lt3A_480 = arith.cmpi slt, %get3A_477, %select_n3A_471 : vector<16xi32>
      %and3A_481 = arith.andi %eq3A_479, %lt3A_480 : vector<16xi1>
      %or3A_482 = arith.ori %gt3A_478, %and3A_481 : vector<16xi1>
      %select_n3A_483 = arith.select %or3A_482, %get3A_474, %select_n3A_470 : vector<16xi1>, vector<16xf32>
      %select_n3A_484 = arith.select %or3A_482, %get3A_477, %select_n3A_471 : vector<16xi1>, vector<16xi32>
      %get3A_485 = arith.constant 208 : index
      %get3A_486 = tpu.vector_load %arg11[%get3A_485] {strides = array<i32>} : memref<256xf32, #tpu.memory_space<vmem>>, vector<16xf32>,
      %get3A_487 = vector.shape_cast %get3A_486 : vector<16xf32> to vector<16xf32>
      %get3A_488 = arith.constant 208 : index
      %get3A_489 = tpu.vector_load %arg12[%get3A_488] {strides = array<i32>} : memref<256xi32, #tpu.memory_space<vmem>>, vector<16xi32>,
      %get3A_490 = vector.shape_cast %get3A_489 : vector<16xi32> to vector<16xi32>
      %gt3A_491 = arith.cmpf ogt, %get3A_487, %select_n3A_483 : vector<16xf32>
      %eq3A_492 = arith.cmpf oeq, %get3A_487, %select_n3A_483 : vector<16xf32>
      %lt3A_493 = arith.cmpi slt, %get3A_490, %select_n3A_484 : vector<16xi32>
      %and3A_494 = arith.andi %eq3A_492, %lt3A_493 : vector<16xi1>
      %or3A_495 = arith.ori %gt3A_491, %and3A_494 : vector<16xi1>
      %select_n3A_496 = arith.select %or3A_495, %get3A_487, %select_n3A_483 : vector<16xi1>, vector<16xf32>
      %select_n3A_497 = arith.select %or3A_495, %get3A_490, %select_n3A_484 : vector<16xi1>, vector<16xi32>
      %get3A_498 = arith.constant 224 : index
      %get3A_499 = tpu.vector_load %arg11[%get3A_498] {strides = array<i32>} : memref<256xf32, #tpu.memory_space<vmem>>, vector<16xf32>,
      %get3A_500 = vector.shape_cast %get3A_499 : vector<16xf32> to vector<16xf32>
      %get3A_501 = arith.constant 224 : index
      %get3A_502 = tpu.vector_load %arg12[%get3A_501] {strides = array<i32>} : memref<256xi32, #tpu.memory_space<vmem>>, vector<16xi32>,
      %get3A_503 = vector.shape_cast %get3A_502 : vector<16xi32> to vector<16xi32>
      %gt3A_504 = arith.cmpf ogt, %get3A_500, %select_n3A_496 : vector<16xf32>
      %eq3A_505 = arith.cmpf oeq, %get3A_500, %select_n3A_496 : vector<16xf32>
      %lt3A_506 = arith.cmpi slt, %get3A_503, %select_n3A_497 : vector<16xi32>
      %and3A_507 = arith.andi %eq3A_505, %lt3A_506 : vector<16xi1>
      %or3A_508 = arith.ori %gt3A_504, %and3A_507 : vector<16xi1>
      %select_n3A_509 = arith.select %or3A_508, %get3A_500, %select_n3A_496 : vector<16xi1>, vector<16xf32>
      %select_n3A_510 = arith.select %or3A_508, %get3A_503, %select_n3A_497 : vector<16xi1>, vector<16xi32>
      %get3A_511 = arith.constant 240 : index
      %get3A_512 = tpu.vector_load %arg11[%get3A_511] {strides = array<i32>} : memref<256xf32, #tpu.memory_space<vmem>>, vector<16xf32>,
      %get3A_513 = vector.shape_cast %get3A_512 : vector<16xf32> to vector<16xf32>
      %get3A_514 = arith.constant 240 : index
      %get3A_515 = tpu.vector_load %arg12[%get3A_514] {strides = array<i32>} : memref<256xi32, #tpu.memory_space<vmem>>, vector<16xi32>,
      %get3A_516 = vector.shape_cast %get3A_515 : vector<16xi32> to vector<16xi32>
      %gt3A_517 = arith.cmpf ogt, %get3A_513, %select_n3A_509 : vector<16xf32>
      %eq3A_518 = arith.cmpf oeq, %get3A_513, %select_n3A_509 : vector<16xf32>
      %lt3A_519 = arith.cmpi slt, %get3A_516, %select_n3A_510 : vector<16xi32>
      %and3A_520 = arith.andi %eq3A_518, %lt3A_519 : vector<16xi1>
      %or3A_521 = arith.ori %gt3A_517, %and3A_520 : vector<16xi1>
      %select_n3A_522 = arith.select %or3A_521, %get3A_513, %select_n3A_509 : vector<16xi1>, vector<16xf32>
      %select_n3A_523 = arith.select %or3A_521, %get3A_516, %select_n3A_510 : vector<16xi1>, vector<16xi32>
      %swap3A_524 = arith.constant 0 : index
      %swap3A_525 = tpu.vector_load %arg13[%swap3A_524] {strides = array<i32>} : memref<16xi32, #tpu.memory_space<vmem>>, vector<16xi32>,
      %swap3A_526 = vector.shape_cast %swap3A_525 : vector<16xi32> to vector<16xi32>
      %swap3A_527 = vector.shape_cast %select_n3A_523 : vector<16xi32> to vector<16xi32>
      tpu.vector_store %arg13[%swap3A_524], %swap3A_527 {strides = array<i32>} : memref<16xi32, #tpu.memory_space<vmem>>, vector<16xi32>,
      %swap3A_528 = arith.constant 0 : index
      %swap3A_529 = tpu.vector_load %arg14[%swap3A_528] {strides = array<i32>} : memref<16xf32, #tpu.memory_space<vmem>>, vector<16xf32>,
      %swap3A_530 = vector.shape_cast %swap3A_529 : vector<16xf32> to vector<16xf32>
      %swap3A_531 = vector.shape_cast %select_n3A_522 : vector<16xf32> to vector<16xf32>
      tpu.vector_store %arg14[%swap3A_528], %swap3A_531 {strides = array<i32>} : memref<16xf32, #tpu.memory_space<vmem>>, vector<16xf32>,
      %mul3A_532 = arith.constant 4 : i32
      %mul3A_533 = arith.muli %arg0, %mul3A_532 : i32
      %add3A_534 = arith.addi %mul3A_533, %arg1 : i32
      %mul3A_535 = arith.constant 16 : i32
      %mul3A_536 = arith.muli %add3A_534, %mul3A_535 : i32
      %multiple_of3A_537 = tpu.assume_multiple %mul3A_536, 8 : i32
      "tpu.region"() ({
        %run_scoped3A_538 = tpu.sem_alloc : memref<!tpu.dma_semaphore, #tpu.memory_space<semaphore_mem>>
        %dma_start3A_539 = tpu.memref_slice %arg3[%multiple_of3A_537] : memref<128xi32, #tpu.memory_space<hbm>> -> memref<16xi32, #tpu.memory_space<hbm>>
        %dma_start3A_540 = tpu.memref_slice %arg3[%multiple_of3A_537] : memref<128xi32, #tpu.memory_space<hbm>> -> memref<16xi32, #tpu.memory_space<hbm>>
        tpu.enqueue_dma source(%arg13 : memref<16xi32, #tpu.memory_space<vmem>>) target(%dma_start3A_540 : memref<16xi32, #tpu.memory_space<hbm>>) target_semaphore(%run_scoped3A_538 : memref<!tpu.dma_semaphore, #tpu.memory_space<semaphore_mem>>)
        %dma_wait3A_541 = tpu.memref_slice %arg3[%multiple_of3A_537] : memref<128xi32, #tpu.memory_space<hbm>> -> memref<16xi32, #tpu.memory_space<hbm>>
        %dma_wait3A_542 = tpu.memref_slice %arg3[%multiple_of3A_537] : memref<128xi32, #tpu.memory_space<hbm>> -> memref<16xi32, #tpu.memory_space<hbm>>
        tpu.wait_dma2 semaphore(%run_scoped3A_538 : memref<!tpu.dma_semaphore, #tpu.memory_space<semaphore_mem>>) src(%arg13 : memref<16xi32, #tpu.memory_space<vmem>>) dst(%dma_wait3A_542 : memref<16xi32, #tpu.memory_space<hbm>>)
        tpu.yield
      }) : () -> ()
      "tpu.region"() ({
        %run_scoped3A_538 = tpu.sem_alloc : memref<!tpu.dma_semaphore, #tpu.memory_space<semaphore_mem>>
        %dma_start3A_539 = tpu.memref_slice %arg4[%multiple_of3A_537] : memref<128xf32, #tpu.memory_space<hbm>> -> memref<16xf32, #tpu.memory_space<hbm>>
        %dma_start3A_540 = tpu.memref_slice %arg4[%multiple_of3A_537] : memref<128xf32, #tpu.memory_space<hbm>> -> memref<16xf32, #tpu.memory_space<hbm>>
        tpu.enqueue_dma source(%arg14 : memref<16xf32, #tpu.memory_space<vmem>>) target(%dma_start3A_540 : memref<16xf32, #tpu.memory_space<hbm>>) target_semaphore(%run_scoped3A_538 : memref<!tpu.dma_semaphore, #tpu.memory_space<semaphore_mem>>)
        %dma_wait3A_541 = tpu.memref_slice %arg4[%multiple_of3A_537] : memref<128xf32, #tpu.memory_space<hbm>> -> memref<16xf32, #tpu.memory_space<hbm>>
        %dma_wait3A_542 = tpu.memref_slice %arg4[%multiple_of3A_537] : memref<128xf32, #tpu.memory_space<hbm>> -> memref<16xf32, #tpu.memory_space<hbm>>
        tpu.wait_dma2 semaphore(%run_scoped3A_538 : memref<!tpu.dma_semaphore, #tpu.memory_space<semaphore_mem>>) src(%arg14 : memref<16xf32, #tpu.memory_space<vmem>>) dst(%dma_wait3A_542 : memref<16xf32, #tpu.memory_space<hbm>>)
        tpu.yield
      }) : () -> ()
    } else {
    }
    return
  }
}

module attributes {stable_mosaic.version = 14 : i64} {
  func.func @tc_body(%arg0: i32, %arg1: memref<1000x128xf32, #tpu.memory_space<vmem>>, %arg2: memref<1x128xi32, #tpu.memory_space<vmem>>, %arg3: memref<1x128xf32, #tpu.memory_space<vmem>>, %arg4: memref<1x128xf32, #tpu.memory_space<vmem>>, %arg5: memref<1x128xi32, #tpu.memory_space<vmem>>) attributes {dimension_semantics = [#tpu.dimension_semantics<arbitrary>], iteration_bounds = array<i64: 54>, scalar_prefetch = 0 : i64, scratch_operands = 2 : i64, tpu.core_type = #tpu.core_type<tc>, window_params = [{transform_indices = @transform_0, window_bounds = array<i64: 1000, 128>}, {pipeline_mode = #tpu.pipeline_mode<synchronous>, transform_indices = @transform_1, window_bounds = array<i64: 1, 128>}, {pipeline_mode = #tpu.pipeline_mode<synchronous>, transform_indices = @transform_2, window_bounds = array<i64: 1, 128>}]} {
    %eq3A = arith.constant 0 : i32
    %eq3A_0 = arith.cmpi eq, %arg0, %eq3A : i32
    %convert_element_type3A = arith.extui %eq3A_0 : i1 to i32
    %cond3A = arith.constant 0 : i32
    %cond3A_1 = arith.cmpi ne, %convert_element_type3A, %cond3A : i32
    scf.if %cond3A_1 {
      %broadcast_in_dim3A_27 = arith.constant 0xFF800000 : f32
      %broadcast_in_dim3A_28 = vector.broadcast %broadcast_in_dim3A_27 : f32 to vector<1x128xf32>
      %swap3A_29 = arith.constant 0 : index
      %swap3A_30 = arith.constant 0 : index
      %swap3A_31 = vector.load %arg4[%swap3A_29, %swap3A_30] : memref<1x128xf32, #tpu.memory_space<vmem>>, vector<1x128xf32>
      tpu.vector_store %arg4[%swap3A_29, %swap3A_30], %broadcast_in_dim3A_28 {strides = array<i32>} : memref<1x128xf32, #tpu.memory_space<vmem>>, vector<1x128xf32>,
      %broadcast_in_dim3A_32 = arith.constant 0 : i32
      %broadcast_in_dim3A_33 = vector.broadcast %broadcast_in_dim3A_32 : i32 to vector<1x128xi32>
      %swap3A_34 = arith.constant 0 : index
      %swap3A_35 = arith.constant 0 : index
      %swap3A_36 = vector.load %arg5[%swap3A_34, %swap3A_35] : memref<1x128xi32, #tpu.memory_space<vmem>>, vector<1x128xi32>
      tpu.vector_store %arg5[%swap3A_34, %swap3A_35], %broadcast_in_dim3A_33 {strides = array<i32>} : memref<1x128xi32, #tpu.memory_space<vmem>>, vector<1x128xi32>,
    } else {
    }
    %get3A = arith.constant 0 : index
    %get3A_2 = arith.constant 0 : index
    %get3A_3 = vector.load %arg1[%get3A, %get3A_2] : memref<1000x128xf32, #tpu.memory_space<vmem>>, vector<1000x128xf32>
    %reduce_max3A = arith.constant dense<0xFF800000> : vector<128xf32>
    %reduce_max3A_4 = vector.multi_reduction <maximumf>, %get3A_3, %reduce_max3A [0] : vector<1000x128xf32> to vector<128xf32>
    %broadcast_in_dim3A = vector.shape_cast %reduce_max3A_4 : vector<128xf32> to vector<1x128xf32>
    %argmax3A = tpu.reduce_index %get3A_3 {axis = 0 : i32, kind = #tpu.reduction_kind<arg_max>} : vector<1000x128xf32> -> vector<128xi32>
    %broadcast_in_dim3A_5 = vector.shape_cast %argmax3A : vector<128xi32> to vector<1x128xi32>
    %mul3A = arith.constant 1000 : i32
    %mul3A_6 = arith.muli %arg0, %mul3A : i32
    %add3A = arith.constant 46000 : i32
    %add3A_7 = arith.addi %add3A, %mul3A_6 : i32
    %add3A_8 = vector.broadcast %add3A_7 : i32 to vector<1x128xi32>
    %add3A_9 = arith.addi %broadcast_in_dim3A_5, %add3A_8 : vector<1x128xi32>
    %get3A_10 = arith.constant 0 : index
    %get3A_11 = arith.constant 0 : index
    %get3A_12 = vector.load %arg4[%get3A_10, %get3A_11] : memref<1x128xf32, #tpu.memory_space<vmem>>, vector<1x128xf32>
    %get3A_13 = arith.constant 0 : index
    %get3A_14 = arith.constant 0 : index
    %get3A_15 = vector.load %arg5[%get3A_13, %get3A_14] : memref<1x128xi32, #tpu.memory_space<vmem>>, vector<1x128xi32>
    %gt3A = arith.cmpf ogt, %broadcast_in_dim3A, %get3A_12 : vector<1x128xf32>
    %select_n3A = arith.select %gt3A, %broadcast_in_dim3A, %get3A_12 : vector<1x128xi1>, vector<1x128xf32>
    %swap3A = arith.constant 0 : index
    %swap3A_16 = arith.constant 0 : index
    %swap3A_17 = vector.load %arg4[%swap3A, %swap3A_16] : memref<1x128xf32, #tpu.memory_space<vmem>>, vector<1x128xf32>
    tpu.vector_store %arg4[%swap3A, %swap3A_16], %select_n3A {strides = array<i32>} : memref<1x128xf32, #tpu.memory_space<vmem>>, vector<1x128xf32>,
    %select_n3A_18 = arith.select %gt3A, %add3A_9, %get3A_15 : vector<1x128xi1>, vector<1x128xi32>
    %swap3A_19 = arith.constant 0 : index
    %swap3A_20 = arith.constant 0 : index
    %swap3A_21 = vector.load %arg5[%swap3A_19, %swap3A_20] : memref<1x128xi32, #tpu.memory_space<vmem>>, vector<1x128xi32>
    tpu.vector_store %arg5[%swap3A_19, %swap3A_20], %select_n3A_18 {strides = array<i32>} : memref<1x128xi32, #tpu.memory_space<vmem>>, vector<1x128xi32>,
    %eq3A_22 = arith.constant 53 : i32
    %eq3A_23 = arith.cmpi eq, %arg0, %eq3A_22 : i32
    %convert_element_type3A_24 = arith.extui %eq3A_23 : i1 to i32
    %cond3A_25 = arith.constant 0 : i32
    %cond3A_26 = arith.cmpi ne, %convert_element_type3A_24, %cond3A_25 : i32
    scf.if %cond3A_26 {
      %get3A_27 = arith.constant 0 : index
      %get3A_28 = arith.constant 0 : index
      %get3A_29 = vector.load %arg5[%get3A_27, %get3A_28] : memref<1x128xi32, #tpu.memory_space<vmem>>, vector<1x128xi32>
      %swap3A_30 = arith.constant 0 : index
      %swap3A_31 = arith.constant 0 : index
      %swap3A_32 = vector.load %arg2[%swap3A_30, %swap3A_31] : memref<1x128xi32, #tpu.memory_space<vmem>>, vector<1x128xi32>
      tpu.vector_store %arg2[%swap3A_30, %swap3A_31], %get3A_29 {strides = array<i32>} : memref<1x128xi32, #tpu.memory_space<vmem>>, vector<1x128xi32>,
      %get3A_33 = arith.constant 0 : index
      %get3A_34 = arith.constant 0 : index
      %get3A_35 = vector.load %arg4[%get3A_33, %get3A_34] : memref<1x128xf32, #tpu.memory_space<vmem>>, vector<1x128xf32>
      %swap3A_36 = arith.constant 0 : index
      %swap3A_37 = arith.constant 0 : index
      %swap3A_38 = vector.load %arg3[%swap3A_36, %swap3A_37] : memref<1x128xf32, #tpu.memory_space<vmem>>, vector<1x128xf32>
      tpu.vector_store %arg3[%swap3A_36, %swap3A_37], %get3A_35 {strides = array<i32>} : memref<1x128xf32, #tpu.memory_space<vmem>>, vector<1x128xf32>,
    } else {
    }
    return
  }
  func.func @transform_0(%arg0: i32) -> (i32, i32) {
    %add3A = arith.constant 46 : i32
    %add3A_0 = arith.addi %add3A, %arg0 : i32
    %c0_i32 = arith.constant 0 : i32
    %c0_i32_1 = arith.constant 0 : i32
    return %add3A_0, %c0_i32 : i32, i32
  }
  func.func @transform_1(%arg0: i32) -> (i32, i32) {
    %c0_i32 = arith.constant 0 : i32
    %c0_i32_0 = arith.constant 0 : i32
    %c0_i32_1 = arith.constant 0 : i32
    return %c0_i32, %c0_i32_0 : i32, i32
  }
  func.func @transform_2(%arg0: i32) -> (i32, i32) {
    %c0_i32 = arith.constant 0 : i32
    %c0_i32_0 = arith.constant 0 : i32
    %c0_i32_1 = arith.constant 0 : i32
    return %c0_i32, %c0_i32_0 : i32, i32
  }
}

</mosaic_0001>

<sc_bundles>
// kernel: kernel.4.cloned.1.call-start
scs
__scs_entry_jumppad:
0x0: {  	(pc) =	sbr.rel $0x88, $3  }
0x1: {  	(tag) =	ssettag $0x0;
	lr =	simm.s32 $0x1  }
0x2: {  	[smem:$0x3FA0] =	sst lr;
	_ =	strace $0xD0000000  }
0x3: {  	_ = 	snop  }
0x4: {  	_ = 	snop  }
0x5: {  	_ = 	snop  }
0x6: {  	_ = 	snop  }
0x7: {  	_ = 	snop  }
__scs_overlays_trampoline_lowered:
0x8: {  	[smem:$0x3FAF] =	sst s0  }
0x9: {  	[smem:$0x3FB0] =	sst s1  }
0xa: {  	[smem:$0x3FB1] =	sst s2  }
0xb: {  	[smem:$0x3FB2] =	sst s3  }
0xc: {  	[smem:$0x3FB3] =	sst s4  }
0xd: {  	[smem:$0x3FB4] =	sst s5  }
0xe: {  	[smem:$0x3FB5] =	sst s6  }
0xf: {  	[smem:$0x3FB6] =	sst s7  }
0x10: {  	[smem:$0x3FB7] =	sst s8  }
0x11: {  	[smem:$0x3FB8] =	sst s9;
	s0 =	simm.s32 @!p0 $0x0  }
0x12: {  	s1 =	sld [smem:$0x3F9E];
	s0 =	simm.s32 @p0 $0x1  }
0x13: {  	[smem:$0x3FB9] =	sst s0;
	s0 =	simm.s32 @!p1 $0x0  }
0x14: {  	s2 =	sld [smem:$0x3F9D];
	s0 =	simm.s32 @p1 $0x1  }
0x15: {  	[smem:$0x3FBA] =	sst s0;
	s0 =	simm.s32 @!p2 $0x0  }
0x16: {  	s3 =	sld [smem:$0x3FDB];
	s0 =	simm.s32 @p2 $0x1  }
0x17: {  	s4 =	simm.s32 $0x1BF5;
	[smem:$0x3FBC] =	sst s0  }
0x18: {  	s0 =	sld [smem:$0x3F9F];
	_ =	swait.ge [sflag:s4], $0x0  }
0x19: {  	s7 =	sld [smem:$0x3FA0]  }
0x1a: {  	s8 =	sadd.s32 $0xFFFFE003, lr  }
0x1b: {  	s9 =	sadd.s32 $0xFFFFFEF7, lr;
	s5 =	simm.s32 $0xFFFFFFFF;
	p2 =	slt.u32 s8, $0xFFFFF086  }
0x1c: {  	p1 =	slt.u32 s9, $0xF7A;
	s5 =	simm.s32 @!p2 $0x0  }
0x1d: {  	s5 =	simm.s32 @p1 $0x1;
	p0 =	seq.s32 s7, s2  }
0x1e: {  	s7 =	smul.u32 @!p0 $0xF7A, s2;
	p2 =	seq.s32 @!p0 s5, $0x0  }
0x1f: {  	s9 =	smul.u32 $0xF7A, s1;
	s8 =	simm.s32 @!p0 $0x1BF5;
	p2 =	por !p2, p0  }
0x20: {  	[sflag:s8] =	ssyncset.s32 @!p0 $0xFFFFF086;
	s6 =	sadd.s32 @!p0 s3, s7;
	s7 =	simm.s32 @!p0 $0x108  }
0x21: {  	s3 =	sadd.s32 s3, s9;
	s6 =	sadd.s32 @!p0 $0x88, s6;
	s7 =	simm.s32 @p2 $0x1082  }
0x22: {  	[simem:s7], [sflag:s8] =	dma.local @!p0 [hbm:s6], $0xF7A  }
0x23: {  	s9 =	sor.u32 $0xD0000000, s2;
	s6 =	simm.s32 $0x108;
	_ =	swait.ge @!p0 [sflag:s8], $0x0  }
0x24: {  	s3 =	sadd.s32 $0x88, s3;
	s6 =	simm.s32 @!p1 $0x1082;
	[sflag:s4] =	ssyncset.s32 $0xFFFFF086  }
0x25: {  	[simem:s6], [sflag:s4] =	dma.local [hbm:s3], $0xF7A  }
0x26: {  	[smem:$0x3FA0] =	sst s1;
	(tag) =	ssettag s2;
	_ =	strace s9  }
0x27: {  	s1 =	sld [smem:$0x3FB0]  }
0x28: {  	s2 =	sld [smem:$0x3FB1]  }
0x29: {  	s4 =	sld [smem:$0x3FB3]  }
0x2a: {  	p0 =	seq.s32 s5, $0x0;
	s5 =	sld [smem:$0x3FB4]  }
0x2b: {  	s6 =	sld [smem:$0x3FB5]  }
0x2c: {  	s7 =	sld [smem:$0x3FB6]  }
0x2d: {  	s3 =	simm.s32 $0x108;
	s8 =	sld [smem:$0x3FB7]  }
0x2e: {  	s3 =	simm.s32 @!p0 $0x1082;
	s9 =	sld [smem:$0x3FB8]  }
0x2f: {  	lr =	sadd.s32 s0, s3;
	s0 =	sld [smem:$0x3FAF]  }
0x30: {  	s3 =	sld [smem:$0x3FB2]  }
0x31: {  	[smem:$0x3FBB] =	sst s10  }
0x32: {  	s10 =	sld [smem:$0x3FB9];
	_ =	sdelay $0x3  }
0x33: {  	p0 =	seq.s32 s10, $0x1;
	s10 =	sld [smem:$0x3FBB];
	_ =	sdelay $0x3  }
0x34: {  	[smem:$0x3FBB] =	sst s10  }
0x35: {  	s10 =	sld [smem:$0x3FBA];
	_ =	sdelay $0x3  }
0x36: {  	p1 =	seq.s32 s10, $0x1;
	s10 =	sld [smem:$0x3FBB];
	_ =	sdelay $0x3  }
0x37: {  	[smem:$0x3FBB] =	sst s10  }
0x38: {  	s10 =	sld [smem:$0x3FBC]  }
0x39: {  	_ = 	snop;
	(pc) =	sbr.ind lr, $3  }
0x3a: {  	_ = 	snop  }
0x3b: {  	_ = 	snop  }
0x3c: {  	p2 =	seq.s32 s10, $0x1;
	s10 =	sld [smem:$0x3FBB]  }
0x3d: {  	_ =	shalt  }
0x3e: {  	_ =	shalt  }
0x3f: {  	_ =	shalt  }
0x40: {  	_ =	shalt  }
0x41: {  	_ =	shalt  }
0x42: {  	_ =	shalt  }
0x43: {  	_ =	shalt  }
0x44: {  	_ =	shalt  }
0x45: {  	_ =	shalt  }
0x46: {  	_ =	shalt  }
0x47: {  	_ =	shalt  }
0x48: {  	_ =	shalt  }
0x49: {  	_ =	shalt  }
0x4a: {  	_ =	shalt  }
0x4b: {  	_ =	shalt  }
0x4c: {  	_ =	shalt  }
0x4d: {  	_ =	shalt  }
0x4e: {  	_ =	shalt  }
0x4f: {  	_ =	shalt  }
0x50: {  	_ =	shalt  }
0x51: {  	_ =	shalt  }
0x52: {  	_ =	shalt  }
0x53: {  	_ =	shalt  }
0x54: {  	_ =	shalt  }
0x55: {  	_ =	shalt  }
0x56: {  	_ =	shalt  }
0x57: {  	_ =	shalt  }
0x58: {  	_ =	shalt  }
0x59: {  	_ =	shalt  }
0x5a: {  	_ =	shalt  }
0x5b: {  	_ =	shalt  }
0x5c: {  	_ =	shalt  }
0x5d: {  	_ =	shalt  }
0x5e: {  	_ =	shalt  }
0x5f: {  	_ =	shalt  }
0x60: {  	_ =	shalt  }
0x61: {  	_ =	shalt  }
0x62: {  	_ =	shalt  }
0x63: {  	_ =	shalt  }
0x64: {  	_ =	shalt  }
0x65: {  	_ =	shalt  }
0x66: {  	_ =	shalt  }
0x67: {  	_ =	shalt  }
0x68: {  	_ =	shalt  }
0x69: {  	_ =	shalt  }
0x6a: {  	_ =	shalt  }
0x6b: {  	_ =	shalt  }
0x6c: {  	_ =	shalt  }
0x6d: {  	_ =	shalt  }
0x6e: {  	_ =	shalt  }
0x6f: {  	_ =	shalt  }
0x70: {  	_ =	shalt  }
0x71: {  	_ =	shalt  }
0x72: {  	_ =	shalt  }
0x73: {  	_ =	shalt  }
0x74: {  	_ =	shalt  }
0x75: {  	_ =	shalt  }
0x76: {  	_ =	shalt  }
0x77: {  	_ =	shalt  }
0x78: {  	_ =	shalt  }
0x79: {  	_ =	shalt  }
0x7a: {  	_ =	shalt  }
0x7b: {  	_ =	shalt  }
0x7c: {  	_ =	shalt  }
0x7d: {  	_ =	shalt  }
0x7e: {  	_ =	shalt  }
0x7f: {  	_ =	shalt  }
0x80: {  	_ =	shalt  }
0x81: {  	_ =	shalt  }
0x82: {  	_ =	shalt  }
0x83: {  	_ =	shalt  }
0x84: {  	_ =	shalt  }
0x85: {  	_ =	shalt  }
0x86: {  	_ =	shalt  }
0x87: {  	_ =	shalt  }
.Lfunc_end0:
.L_simem_size_0:
called_computation_lowered:
.L_overlay_start_0:
0x88: {  	s2 =	sld [smem:$0x3FD9]  }
0x89: {  	s3 =	sld [smem:$0x3FFE];
	_ =	sdelay $0x1  }
0x8a: {  	s1 =	srdreg.scid  }
0x8b: {  	s0 =	sand.u32 $0x1, s1  }
0x8c: {  	s17 =	sshll.u32 s0, $0xA;
	s2 =	sadd.s32 s3, s2  }
0x8d: {  	s2 =	sadd.s32 s2, s17  }
0x8e: {  	[smem:$0x3FC7] =	sst s2  }
0x8f: {  	_ = 	snop  }
0x90: {  	s2 =	sld [smem:$0x3FC9];
	(tm) =	ssettm $0x1  }
0x91: {  	s18 =	sld [smem:$0x3FFB];
	_ =	sdelay $0x3  }
0x92: {  	_ =	strace s18  }
0x93: {  	s3 =	sld [smem:$0x3FFC];
	_ =	sdelay $0x3  }
0x94: {  	_ =	strace s3  }
0x95: {  	s3 =	sld [smem:$0x3FFD];
	_ =	sdelay $0x3  }
0x96: {  	_ =	strace s3  }
0x97: {  	_ =	strace $0x8FFFFFFF  }
0x98: {  	s19 =	sld [smem:$0x3FDB];
	_ =	sdelay $0x1  }
0x99: {  	s4 =	simm.s32 $_scs_section_size  }
0x9a: {  	s5 =	simm.s32 $_size__tile_overlayer_lowered;
	s6 =	simm.s32 $_tile_overlayer_lowered  }
0x9b: {  	s22 =	simm.s32 $0x1BFF;
	s21 =	sshll.u32 s6, $0x1;
	s3 =	sadd.s32 s4, s19  }
0x9c: {  	s7 =	simm.s32 $0x0;
	s20 =	sshll.u32 s5, $0x1;
	s5 =	sadd.s32 s21, s3  }
0x9d: {  	[timem:s7], [sflag:s22] =	dma.local [hbm:s5], s20  }
0x9e: {  	_ =	swait.ge [sflag:s22], s20  }
0x9f: {  	s4 =	ssub.s32 $0x0, s20;
	[sflag:s22] =	ssyncset.done $0x0  }
0xa0: {  	[sflag:s22] =	ssyncadd.s32 s4;
	_ =	sdelay $0x1  }
0xa1: {  	s23 =	simm.s32 $0x1B8B  }
0xa2: {  	_ =	swait.ge [sflag:s23], $0x1  }
0xa3: {  	[sflag:s23] =	ssyncset.done $0x0  }
0xa4: {  	s25 =	simm.s32 $0x1B8E;
	s24 =	sld [smem:$0x3FFE];
	[sflag:s23] =	ssyncadd.s32 $0xFFFFFFFF  }
0xa5: {  	s26 =	simm.s32 $execute0_lowered;
	[smem:$0x3FD2] =	sst s25  }
0xa6: {  	s5 =	sshll.u32 s26, $0x1;
	_ =	strace $0x80000046;
	[dreg:$0x1] =	wrdreg $0xFFFFFFFF  }
0xa7: {  	s28 =	simm.s32 $_size_execute0_lowered;
	s3 =	sadd.s32 s3, s5;
	[dreg:$0x0] =	wrdreg $0x0  }
0xa8: {  	s5 =	sshll.u32 s28, $0x1;
	[dreg:$0x2] =	wrdreg s3  }
0xa9: {  	[dreg:$0x3] =	wrdreg s5  }
0xaa: {  	[dreg:$0x4] =	wrdreg $0xC0  }
0xab: {  	_ =	task [dreg:s7], $0x5FFFF  }
0xac: {  	[dreg:$0x1] =	wrdreg $0xFFFFFFFF  }
0xad: {  	[dreg:$0x0] =	wrdreg $0x60  }
0xae: {  	[dreg:$0x2] =	wrdreg s2  }
0xaf: {  	[dreg:$0x3] =	wrdreg s24  }
0xb0: {  	[dreg:$0x4] =	wrdreg $0x9  }
0xb1: {  	_ =	task.clear_ibuf [dreg:s7], $0x5FFFF;
	_ =	strace $0x90000046  }
0xb2: {  	s29 =	simm.s32 $0x9;
	_ =	strace $0x80000048  }
0xb3: {  	_ =	swait.ge [sflag:s29], $0x1  }
0xb4: {  	[sflag:s29] =	ssyncadd.s32 $0xFFFFFFFF  }
0xb5: {  	_ =	strace $0x90000048  }
0xb6: {  	_ =	sfence  }
0xb7: {  	s30 =	sld [smem:$0x0];
	_ =	sdelay $0x2  }
0xb8: {  	s31 =	sshll.u32 s1, $0xD;
	s1 =	sshrl.u32 s1, $0x2  }
0xb9: {  	s3 =	sand.u32 $0x4000, s31;
	s1 =	sadd.s32 s1, s30  }
0xba: {  	s0 =	sor.u32 s3, s0;
	s1 =	sshll.u32 s1, $0x11  }
0xbb: {  	s0 =	sor.u32 s1, s0  }
0xbc: {  	s0 =	sadd.s32 $0x8F2B, s0  }
0xbd: {  	[sflag:s0] =	ssyncadd.remote.s32 $0x1  }
0xbe: {  	_ =	sfence.sel $0xFFFF  }
0xbf: {  	[dreg:$0x0] =	wrdreg $0xFFFFFFFF;
	(pc) =	sbr.abs _section_cstart, $3  }
0xc0: {  	[dreg:$0x1] =	wrdreg $0xFFFFFFFF  }
0xc1: {  	_ =	task.clear_ibuf [dreg:s7], $0x2FFFF;
	_ =	strace $0x9FFFFFFF  }
0xc2: {  	(tm) =	ssettm $0x7FFFFFFF  }
0xc3: {  	_ =	shalt  }
tec
execute0_lowered:
.L_overlay_start_1:
0x0: {  	(tag) =	ssettag $0x1  }
0x1: {  	s0 =	rddreg [dreg:$0x0]  }
0x2: {  	s1 =	srdreg.scid;
	s10 =	rddreg [dreg:$0x1]  }
0x3: {  	s26 =	stileid.u32;
	s29 =	simm.s32 $0x4;
	s14 =	sand.u32 $0x1, s1  }
0x4: {  	s1 =	simm.s32 $0x0;
	s3 =	smul.u32 $0xB3B, s26;
	s19 =	sadd.s32 $0xA00, s10  }
0x5: {  	s25 =	sadd.s32 $0xC00, s10;
	s2 =	sshll.u32 s14, $0x2;
	[smem:$0x7FF] =	sst s1  }
0x6: {  	s6 =	ssub.s32 $0x2, s14;
	s17 =	sadd.s32 s26, s2;
	s3 =	sand.u32 $0xFFF8, s3  }
0x7: {  	s4 =	sshrl.u32 s6, $0x1;
	s11 =	sshll.u32 s17, $0x1;
	s28 =	smin.u32 s3, $0xA730  }
0x8: {  	s23 =	ssub.s32 s6, s4;
	s22 =	sshll.u32 s17, $0x5;
	s7 =	sshll.u32 s28, $0x4  }
0x9: {  	s30 =	sadd.s32 $0x190, s28;
	s8 =	sadd.s32 $0x320, s28;
	s20 =	sadd.s32 $0x4B0, s28  }
0xa: {  	s3 =	sadd.s32 $0x640, s28;
	s31 =	sadd.s32 $0xAF0, s28;
	s24 =	sadd.s32 s11, s10  }
0xb: {  	[dreg:$0x8] =	wrdreg s8;
	s2 =	sadd.s32 s0, s7;
	s9 =	sshll.u32 s30, $0x4  }
0xc: {  	s4 =	sshll.u32 s8, $0x4;
	s5 =	sshll.u32 s20, $0x4;
	s6 =	sshll.u32 s3, $0x4  }
0xd: {  	s8 =	sshll.u32 s14, $0x7;
	s16 =	sshll.u32 s31, $0x4;
	[dreg:$0x4] =	wrdreg s2  }
0xe: {  	s12 =	sadd.s32 s0, s9;
	s13 =	sadd.s32 s0, s4;
	s4 =	sadd.s32 $0x7D0, s28  }
0xf: {  	s15 =	sadd.s32 s0, s5;
	s6 =	sadd.s32 s0, s6;
	[dreg:$0x6] =	wrdreg s12  }
0x10: {  	s2 =	sadd.s32 $0x960, s28;
	s9 =	sshll.u32 s26, $0x1;
	[dreg:$0x7] =	wrdreg s13  }
0x11: {  	s5 =	sadd.s32 $0xE00, s24;
	s24 =	sadd.s32 $0x1000, s24;
	[dreg:$0x5] =	wrdreg s15  }
0x12: {  	s7 =	sshll.u32 s4, $0x4;
	s12 =	sshll.u32 s2, $0x4;
	s15 =	sor.u32 s9, s8  }
0x13: {  	s9 =	sadd.s32 s0, s16;
	s7 =	sadd.s32 s0, s7;
	s8 =	sadd.s32 s0, s12  }
0x14: {  	s18 =	sor.u32 $0x20, s15;
	s12 =	sadd.s32 s19, s15;
	s21 =	sor.u32 $0x40, s15  }
0x15: {  	s13 =	sadd.s32 s25, s15;
	_ =	strace $0x80000047;
	s10 =	sadd.s32 s19, s18  }
0x16: {  	s11 =	sadd.s32 s25, s18;
	s18 =	sor.u32 $0x60, s15;
	s15 =	sadd.s32 s19, s21  }
0x17: {  	s16 =	sadd.s32 s25, s21;
	s21 =	sadd.s32 s19, s22;
	s22 =	sadd.s32 s25, s22  }
0x18: {  	s17 =	sadd.s32 s19, s18;
	s18 =	sadd.s32 s25, s18;
	s25 =	sshll.u32 s14, $0x6  }
0x19: {  	[dreg:$0x3] =	wrdreg s24;
	s19 =	sor.u32 $0x20, s25;
	s0 =	sor.u32 $0xC820, s25  }
.Ltmp0:
0x1a: {  	p0 =	sgt.u32 s26, $0x3;
	v1 =	vmov s30;
	s30 =	rddreg [dreg:$0x8];
	v8 =	vmov s19;
	v9 =	vmov s0;
	(pc) =	sbr.rel .LBB2_1-.Ltmp0, $4  }
0x1b: {  	s23 =	smax.u32 s23, $0x1;
	v3 =	vmov s20;
	s20 =	simm.s32 $0x19380;
	v4 =	vmov s3;
	s3 =	rddreg [dreg:$0x6]  }
0x1c: {  	v7 =	vmov s31;
	s26 =	simm.s32 $0x2;
	v5 =	vmov s4;
	s31 =	smov.u32 s5;
	s4 =	rddreg [dreg:$0x7]  }
0x1d: {  	s24 =	simm.s32 $0xC800;
	s5 =	rddreg [dreg:$0x5];
	s14 =	simm.s32 $0x3  }
0x1e: {  	v0 =	vmov s28;
	v6 =	vmov s2;
	v2 =	vmov s30;
	s25 =	simm.s32 $0x1;
	s19 =	rddreg [dreg:$0x4];
	s0 =	simm.s32 $0x0  }
.LBB2_19:
0x1f: {  	s0 =	sadd.s32 $0x1, s0  }
0x20: {  	p1 =	sne.s32 s0, s23  }
.Ltmp1:
0x21: {  	_ = 	snop;
	(pc) =	sbr.rel @!p1 .LBB2_20-.Ltmp1, $1  }
0x22: {  	_ =	sdelay $0x3  }
.LBB2_1:
0x23: {  	[tilespmem:s1], [sflag:$0x1] =	stream.linear.gather [hbm4b:s19+s1], $0xC800, $0x38;
	[tilespmem:$0x19700] =	vst v63  }
0x24: {  	_ = 	snop  }
0x25: {  	[tilespmem:s24], [sflag:$0x2] =	stream.linear.gather [hbm4b:s3+s1], $0xC800, $0x38;
	[tilespmem:$0x19700] =	vst v63  }
0x26: {  	_ =	swait.ge [sflag:s25], $0xC800  }
0x27: {  	[sflag:s25] =	ssyncset.done $0x0  }
0x28: {  	s2 =	simm.s32 $0x0;
	[sflag:s25] =	ssyncadd.s32 $0xFFFF3800  }
0x29: {  	v10 =	vld.idx.msk [tilespmem:v8+s2+$0xFFFFFFE0 ss:$0x1], $0xffff  }
0x2a: {  	v23 =	vld.idx.msk [tilespmem:v8+s2+$0xFFFFFFF0 ss:$0x1], $0xffff  }
0x2b: {  	v24 =	vld.idx.msk [tilespmem:v8+s2+$0x0 ss:$0x1], $0xffff  }
0x2c: {  	v15 =	vld.idx.msk [tilespmem:v8+s2+$0x10 ss:$0x1], $0xffff;
	_ =	sdelay $0x1  }
0x2d: {  	v17 =	vimm.f32 $-Inf;
	v16 =	vimm.s32 $0x0;
	s28 =	simm.s32 $0x80;
	v20 =	vimm.f32 $-Inf  }
0x2e: {  	v22 =	vimm.f32 $-Inf;
	v18 =	vmovc v0;
	v21 =	vimm.s32 $0x0;
	v19 =	vimm.s32 $0x0;
	v13 =	vld.idx.msk [tilespmem:v8+s28+$0xFFFFFFE0 ss:$0x1], $0xffff  }
0x2f: {  	v14 =	vld.idx.msk [tilespmem:v8+s28+$0x0 ss:$0x1], $0xffff;
	vm0 =	vgt.f32 v10, v17;
	vm1 =	vgt.f32 v23, v17;
	vm2 =	vgt.f32 v24, v17  }
0x30: {  	s30 =	simm.s32 $0x400;
	v11 =	vsel vm0, v10, v17;
	v12 =	vsel vm0, v0, v16;
	v10 =	vld.idx.msk [tilespmem:v8+s28+$0xFFFFFFF0 ss:$0x1], $0xffff;
	vm0 =	vgt.f32 v15, v17  }
.LBB2_2:
0x31: {  	p1 =	sne.s32 s30, $0x31E00;
	v17 =	vsel vm1, v23, v17;
	v20 =	vsel vm2, v24, v20;
	v22 =	vsel vm0, v15, v22;
	v15 =	vld.idx.msk [tilespmem:v8+s28+$0x10 ss:$0x1], $0xffff  }
0x32: {  	v16 =	vsel vm1, v18, v16;
	v21 =	vsel vm2, v18, v21;
	v19 =	vsel vm0, v18, v19  }
.Ltmp2:
0x33: {  	(pc) =	sbr.rel @p1 .LBB2_2-.Ltmp2, $4  }
0x34: {  	s28 =	sshra.s32 s30, $0x2;
	v25 =	vmov v13  }
0x35: {  	v18 =	vadd.s32 $0x1, v18;
	vm0 =	vgt.f32 v25, v11;
	v23 =	vmov v10;
	v13 =	vld.idx.msk [tilespmem:v8+s28+$0xFFFFFFE0 ss:$0x1], $0xffff  }
0x36: {  	v11 =	vsel vm0, v25, v11;
	v12 =	vsel vm0, v18, v12;
	v24 =	vmov v14;
	v10 =	vld.idx.msk [tilespmem:v8+s28+$0xFFFFFFF0 ss:$0x1], $0xffff  }
0x37: {  	s30 =	sadd.s32 $0x200, s30;
	vm1 =	vgt.f32 v23, v17;
	vm2 =	vgt.f32 v24, v20;
	vm0 =	vgt.f32 v15, v22;
	v14 =	vld.idx.msk [tilespmem:v8+s28+$0x0 ss:$0x1], $0xffff  }
0x38: {  	_ =	sdelay $0x2  }
0x39: {  	s2 =	simm.s32 $0x0  }
0x3a: {  	v25 =	vld.idx.msk [tilespmem:v8+s28+$0x10 ss:$0x1], $0xffff;
	[tilespmem:s2], [sflag:$0x1] =	stream.linear.gather [hbm4b:s4+s2], $0xC800, $0x38  }
0x3b: {  	_ =	swait.ge [sflag:s26], $0xC800  }
0x3c: {  	[sflag:s26] =	ssyncset.done $0x0  }
0x3d: {  	s2 =	simm.s32 $0x0;
	[sflag:s26] =	ssyncadd.s32 $0xFFFF3800  }
0x3e: {  	v17 =	vsel vm1, v23, v17;
	v26 =	vsel vm2, v24, v20;
	v23 =	vld.idx.msk [tilespmem:v9+s2+$0xFFFFFFE0 ss:$0x1], $0xffff  }
0x3f: {  	v27 =	vsel vm0, v15, v22;
	v28 =	vsel vm1, v18, v16;
	v29 =	vsel vm2, v18, v21;
	v22 =	vld.idx.msk [tilespmem:v9+s2+$0xFFFFFFF0 ss:$0x1], $0xffff  }
0x40: {  	v30 =	vadd.s32 $0x1, v18;
	v18 =	vsel vm0, v18, v19;
	vm1 =	vgt.f32 v13, v11;
	v24 =	vld.idx.msk [tilespmem:v9+s2+$0x0 ss:$0x1], $0xffff  }
0x41: {  	v19 =	vsel vm1, v13, v11;
	v12 =	vsel vm1, v30, v12;
	vm0 =	vgt.f32 v10, v17;
	v11 =	vld.idx.msk [tilespmem:v9+s2+$0x10 ss:$0x1], $0xffff  }
0x42: {  	vm1 =	vgt.f32 v14, v26;
	v20 =	vsel vm0, v10, v17;
	v21 =	vsel vm0, v30, v28  }
0x43: {  	s28 =	simm.s32 $0x80;
	vm2 =	vgt.f32 v25, v27;
	v15 =	vsel vm1, v14, v26;
	v17 =	vsel vm1, v30, v29  }
0x44: {  	v13 =	vld.idx.msk [tilespmem:v9+s28+$0xFFFFFFE0 ss:$0x1], $0xffff;
	v16 =	vsel vm2, v25, v27;
	v14 =	vsel vm2, v30, v18;
	vm0 =	vgt.f32 v23, v19  }
0x45: {  	v10 =	vld.idx.msk [tilespmem:v9+s28+$0xFFFFFFF0 ss:$0x1], $0xffff;
	vm2 =	vgt.f32 v22, v20;
	vm1 =	vgt.f32 v24, v15;
	v18 =	vsel vm0, v23, v19  }
0x46: {  	s30 =	simm.s32 $0x400;
	v19 =	vsel vm0, v1, v12;
	v12 =	vld.idx.msk [tilespmem:v9+s28+$0x0 ss:$0x1], $0xffff;
	vm0 =	vgt.f32 v11, v16;
	v23 =	vmov v1  }
.LBB2_4:
0x47: {  	p1 =	sne.s32 s30, $0x31E00;
	v20 =	vsel vm2, v22, v20;
	v15 =	vsel vm1, v24, v15;
	v16 =	vsel vm0, v11, v16;
	v11 =	vld.idx.msk [tilespmem:v9+s28+$0x10 ss:$0x1], $0xffff  }
0x48: {  	v21 =	vsel vm2, v23, v21;
	v17 =	vsel vm1, v23, v17;
	v14 =	vsel vm0, v23, v14  }
.Ltmp3:
0x49: {  	(pc) =	sbr.rel @p1 .LBB2_4-.Ltmp3, $4  }
0x4a: {  	s28 =	sshra.s32 s30, $0x2;
	v25 =	vmov v13  }
0x4b: {  	v23 =	vadd.s32 $0x1, v23;
	vm0 =	vgt.f32 v25, v18;
	v22 =	vmov v10;
	v13 =	vld.idx.msk [tilespmem:v9+s28+$0xFFFFFFE0 ss:$0x1], $0xffff  }
0x4c: {  	v18 =	vsel vm0, v25, v18;
	v19 =	vsel vm0, v23, v19;
	v24 =	vmov v12;
	v10 =	vld.idx.msk [tilespmem:v9+s28+$0xFFFFFFF0 ss:$0x1], $0xffff  }
0x4d: {  	s30 =	sadd.s32 $0x200, s30;
	vm2 =	vgt.f32 v22, v20;
	vm1 =	vgt.f32 v24, v15;
	vm0 =	vgt.f32 v11, v16;
	v12 =	vld.idx.msk [tilespmem:v9+s28+$0x0 ss:$0x1], $0xffff  }
0x4e: {  	_ =	sdelay $0x2  }
0x4f: {  	s2 =	simm.s32 $0x0  }
0x50: {  	v25 =	vld.idx.msk [tilespmem:v9+s28+$0x10 ss:$0x1], $0xffff;
	[tilespmem:s24], [sflag:$0x2] =	stream.linear.gather [hbm4b:s5+s2], $0xC800, $0x38  }
0x51: {  	_ =	swait.ge [sflag:s25], $0xC800  }
0x52: {  	[sflag:s25] =	ssyncset.done $0x0  }
0x53: {  	s2 =	simm.s32 $0x0;
	[sflag:s25] =	ssyncadd.s32 $0xFFFF3800  }
0x54: {  	v20 =	vsel vm2, v22, v20;
	v26 =	vld.idx.msk [tilespmem:v8+s2+$0xFFFFFFE0 ss:$0x1], $0xffff  }
0x55: {  	v15 =	vsel vm1, v24, v15;
	v16 =	vsel vm0, v11, v16;
	v21 =	vsel vm2, v23, v21;
	v22 =	vld.idx.msk [tilespmem:v8+s2+$0xFFFFFFF0 ss:$0x1], $0xffff  }
0x56: {  	v17 =	vsel vm1, v23, v17;
	v27 =	vadd.s32 $0x1, v23;
	vm1 =	vgt.f32 v13, v18;
	v24 =	vld.idx.msk [tilespmem:v8+s2+$0x0 ss:$0x1], $0xffff  }
0x57: {  	v14 =	vsel vm0, v23, v14;
	v18 =	vsel vm1, v13, v18;
	vm0 =	vgt.f32 v10, v20;
	v11 =	vld.idx.msk [tilespmem:v8+s2+$0x10 ss:$0x1], $0xffff  }
0x58: {  	v19 =	vsel vm1, v27, v19;
	vm1 =	vgt.f32 v12, v15;
	v20 =	vsel vm0, v10, v20  }
0x59: {  	s28 =	simm.s32 $0x80;
	v23 =	vmovc v2;
	v21 =	vsel vm0, v27, v21;
	vm2 =	vgt.f32 v25, v16;
	v15 =	vsel vm1, v12, v15  }
0x5a: {  	v17 =	vsel vm1, v27, v17;
	v13 =	vld.idx.msk [tilespmem:v8+s28+$0xFFFFFFE0 ss:$0x1], $0xffff;
	v16 =	vsel vm2, v25, v16;
	v14 =	vsel vm2, v27, v14  }
0x5b: {  	v10 =	vld.idx.msk [tilespmem:v8+s28+$0xFFFFFFF0 ss:$0x1], $0xffff;
	vm0 =	vgt.f32 v26, v18;
	vm2 =	vgt.f32 v22, v20;
	vm1 =	vgt.f32 v24, v15  }
0x5c: {  	s30 =	simm.s32 $0x400;
	v12 =	vld.idx.msk [tilespmem:v8+s28+$0x0 ss:$0x1], $0xffff;
	v18 =	vsel vm0, v26, v18;
	v19 =	vsel vm0, v2, v19;
	vm0 =	vgt.f32 v11, v16  }
.LBB2_6:
0x5d: {  	p1 =	sne.s32 s30, $0x31E00;
	v20 =	vsel vm2, v22, v20;
	v15 =	vsel vm1, v24, v15;
	v16 =	vsel vm0, v11, v16;
	v11 =	vld.idx.msk [tilespmem:v8+s28+$0x10 ss:$0x1], $0xffff  }
0x5e: {  	v21 =	vsel vm2, v23, v21;
	v17 =	vsel vm1, v23, v17;
	v14 =	vsel vm0, v23, v14  }
.Ltmp4:
0x5f: {  	(pc) =	sbr.rel @p1 .LBB2_6-.Ltmp4, $4  }
0x60: {  	s28 =	sshra.s32 s30, $0x2;
	v25 =	vmov v13  }
0x61: {  	v23 =	vadd.s32 $0x1, v23;
	vm0 =	vgt.f32 v25, v18;
	v22 =	vmov v10;
	v13 =	vld.idx.msk [tilespmem:v8+s28+$0xFFFFFFE0 ss:$0x1], $0xffff  }
0x62: {  	v18 =	vsel vm0, v25, v18;
	v19 =	vsel vm0, v23, v19;
	v24 =	vmov v12;
	v10 =	vld.idx.msk [tilespmem:v8+s28+$0xFFFFFFF0 ss:$0x1], $0xffff  }
0x63: {  	s30 =	sadd.s32 $0x200, s30;
	vm2 =	vgt.f32 v22, v20;
	vm1 =	vgt.f32 v24, v15;
	vm0 =	vgt.f32 v11, v16;
	v12 =	vld.idx.msk [tilespmem:v8+s28+$0x0 ss:$0x1], $0xffff  }
0x64: {  	_ =	sdelay $0x2  }
0x65: {  	s2 =	simm.s32 $0x0  }
0x66: {  	v25 =	vld.idx.msk [tilespmem:v8+s28+$0x10 ss:$0x1], $0xffff;
	[tilespmem:s2], [sflag:$0x1] =	stream.linear.gather [hbm4b:s6+s2], $0xC800, $0x38  }
0x67: {  	_ =	swait.ge [sflag:s26], $0xC800  }
0x68: {  	[sflag:s26] =	ssyncset.done $0x0  }
0x69: {  	s2 =	simm.s32 $0x0;
	[sflag:s26] =	ssyncadd.s32 $0xFFFF3800  }
0x6a: {  	v20 =	vsel vm2, v22, v20;
	v26 =	vld.idx.msk [tilespmem:v9+s2+$0xFFFFFFE0 ss:$0x1], $0xffff  }
0x6b: {  	v15 =	vsel vm1, v24, v15;
	v16 =	vsel vm0, v11, v16;
	v21 =	vsel vm2, v23, v21;
	v22 =	vld.idx.msk [tilespmem:v9+s2+$0xFFFFFFF0 ss:$0x1], $0xffff  }
0x6c: {  	v17 =	vsel vm1, v23, v17;
	v27 =	vadd.s32 $0x1, v23;
	vm1 =	vgt.f32 v13, v18;
	v24 =	vld.idx.msk [tilespmem:v9+s2+$0x0 ss:$0x1], $0xffff  }
0x6d: {  	v14 =	vsel vm0, v23, v14;
	v18 =	vsel vm1, v13, v18;
	vm0 =	vgt.f32 v10, v20;
	v11 =	vld.idx.msk [tilespmem:v9+s2+$0x10 ss:$0x1], $0xffff  }
0x6e: {  	v19 =	vsel vm1, v27, v19;
	vm1 =	vgt.f32 v12, v15;
	v20 =	vsel vm0, v10, v20  }
0x6f: {  	s28 =	simm.s32 $0x80;
	v23 =	vmovc v3;
	v21 =	vsel vm0, v27, v21;
	vm2 =	vgt.f32 v25, v16;
	v15 =	vsel vm1, v12, v15  }
0x70: {  	v17 =	vsel vm1, v27, v17;
	v13 =	vld.idx.msk [tilespmem:v9+s28+$0xFFFFFFE0 ss:$0x1], $0xffff;
	v16 =	vsel vm2, v25, v16;
	v14 =	vsel vm2, v27, v14  }
0x71: {  	v10 =	vld.idx.msk [tilespmem:v9+s28+$0xFFFFFFF0 ss:$0x1], $0xffff;
	vm0 =	vgt.f32 v26, v18;
	vm2 =	vgt.f32 v22, v20;
	vm1 =	vgt.f32 v24, v15  }
0x72: {  	s30 =	simm.s32 $0x400;
	v12 =	vld.idx.msk [tilespmem:v9+s28+$0x0 ss:$0x1], $0xffff;
	v18 =	vsel vm0, v26, v18;
	v19 =	vsel vm0, v3, v19;
	vm0 =	vgt.f32 v11, v16  }
.LBB2_8:
0x73: {  	p1 =	sne.s32 s30, $0x31E00;
	v20 =	vsel vm2, v22, v20;
	v15 =	vsel vm1, v24, v15;
	v16 =	vsel vm0, v11, v16;
	v11 =	vld.idx.msk [tilespmem:v9+s28+$0x10 ss:$0x1], $0xffff  }
0x74: {  	v21 =	vsel vm2, v23, v21;
	v17 =	vsel vm1, v23, v17;
	v14 =	vsel vm0, v23, v14  }
.Ltmp5:
0x75: {  	(pc) =	sbr.rel @p1 .LBB2_8-.Ltmp5, $4  }
0x76: {  	s28 =	sshra.s32 s30, $0x2;
	v25 =	vmov v13  }
0x77: {  	v23 =	vadd.s32 $0x1, v23;
	vm0 =	vgt.f32 v25, v18;
	v22 =	vmov v10;
	v13 =	vld.idx.msk [tilespmem:v9+s28+$0xFFFFFFE0 ss:$0x1], $0xffff  }
0x78: {  	v18 =	vsel vm0, v25, v18;
	v19 =	vsel vm0, v23, v19;
	v24 =	vmov v12;
	v10 =	vld.idx.msk [tilespmem:v9+s28+$0xFFFFFFF0 ss:$0x1], $0xffff  }
0x79: {  	s30 =	sadd.s32 $0x200, s30;
	vm2 =	vgt.f32 v22, v20;
	vm1 =	vgt.f32 v24, v15;
	vm0 =	vgt.f32 v11, v16;
	v12 =	vld.idx.msk [tilespmem:v9+s28+$0x0 ss:$0x1], $0xffff  }
0x7a: {  	_ =	sdelay $0x2  }
0x7b: {  	s2 =	simm.s32 $0x0  }
0x7c: {  	v25 =	vld.idx.msk [tilespmem:v9+s28+$0x10 ss:$0x1], $0xffff;
	[tilespmem:s24], [sflag:$0x2] =	stream.linear.gather [hbm4b:s7+s2], $0xC800, $0x38  }
0x7d: {  	_ =	swait.ge [sflag:s25], $0xC800  }
0x7e: {  	[sflag:s25] =	ssyncset.done $0x0  }
0x7f: {  	s2 =	simm.s32 $0x0;
	[sflag:s25] =	ssyncadd.s32 $0xFFFF3800  }
0x80: {  	v20 =	vsel vm2, v22, v20;
	v26 =	vld.idx.msk [tilespmem:v8+s2+$0xFFFFFFE0 ss:$0x1], $0xffff  }
0x81: {  	v15 =	vsel vm1, v24, v15;
	v16 =	vsel vm0, v11, v16;
	v21 =	vsel vm2, v23, v21;
	v22 =	vld.idx.msk [tilespmem:v8+s2+$0xFFFFFFF0 ss:$0x1], $0xffff  }
0x82: {  	v17 =	vsel vm1, v23, v17;
	v27 =	vadd.s32 $0x1, v23;
	vm1 =	vgt.f32 v13, v18;
	v24 =	vld.idx.msk [tilespmem:v8+s2+$0x0 ss:$0x1], $0xffff  }
0x83: {  	v14 =	vsel vm0, v23, v14;
	v18 =	vsel vm1, v13, v18;
	vm0 =	vgt.f32 v10, v20;
	v11 =	vld.idx.msk [tilespmem:v8+s2+$0x10 ss:$0x1], $0xffff  }
0x84: {  	v19 =	vsel vm1, v27, v19;
	vm1 =	vgt.f32 v12, v15;
	v20 =	vsel vm0, v10, v20  }
0x85: {  	s28 =	simm.s32 $0x80;
	v23 =	vmovc v4;
	v21 =	vsel vm0, v27, v21;
	vm2 =	vgt.f32 v25, v16;
	v15 =	vsel vm1, v12, v15  }
0x86: {  	v17 =	vsel vm1, v27, v17;
	v13 =	vld.idx.msk [tilespmem:v8+s28+$0xFFFFFFE0 ss:$0x1], $0xffff;
	v16 =	vsel vm2, v25, v16;
	v14 =	vsel vm2, v27, v14  }
0x87: {  	v10 =	vld.idx.msk [tilespmem:v8+s28+$0xFFFFFFF0 ss:$0x1], $0xffff;
	vm0 =	vgt.f32 v26, v18;
	vm2 =	vgt.f32 v22, v20;
	vm1 =	vgt.f32 v24, v15  }
0x88: {  	s30 =	simm.s32 $0x400;
	v12 =	vld.idx.msk [tilespmem:v8+s28+$0x0 ss:$0x1], $0xffff;
	v18 =	vsel vm0, v26, v18;
	v19 =	vsel vm0, v4, v19;
	vm0 =	vgt.f32 v11, v16  }
.LBB2_10:
0x89: {  	p1 =	sne.s32 s30, $0x31E00;
	v20 =	vsel vm2, v22, v20;
	v15 =	vsel vm1, v24, v15;
	v16 =	vsel vm0, v11, v16;
	v11 =	vld.idx.msk [tilespmem:v8+s28+$0x10 ss:$0x1], $0xffff  }
0x8a: {  	v21 =	vsel vm2, v23, v21;
	v17 =	vsel vm1, v23, v17;
	v14 =	vsel vm0, v23, v14  }
.Ltmp6:
0x8b: {  	(pc) =	sbr.rel @p1 .LBB2_10-.Ltmp6, $4  }
0x8c: {  	s28 =	sshra.s32 s30, $0x2;
	v25 =	vmov v13  }
0x8d: {  	v23 =	vadd.s32 $0x1, v23;
	vm0 =	vgt.f32 v25, v18;
	v22 =	vmov v10;
	v13 =	vld.idx.msk [tilespmem:v8+s28+$0xFFFFFFE0 ss:$0x1], $0xffff  }
0x8e: {  	v18 =	vsel vm0, v25, v18;
	v19 =	vsel vm0, v23, v19;
	v24 =	vmov v12;
	v10 =	vld.idx.msk [tilespmem:v8+s28+$0xFFFFFFF0 ss:$0x1], $0xffff  }
0x8f: {  	s30 =	sadd.s32 $0x200, s30;
	vm2 =	vgt.f32 v22, v20;
	vm1 =	vgt.f32 v24, v15;
	vm0 =	vgt.f32 v11, v16;
	v12 =	vld.idx.msk [tilespmem:v8+s28+$0x0 ss:$0x1], $0xffff  }
0x90: {  	_ =	sdelay $0x2  }
0x91: {  	s2 =	simm.s32 $0x0  }
0x92: {  	v25 =	vld.idx.msk [tilespmem:v8+s28+$0x10 ss:$0x1], $0xffff;
	[tilespmem:s2], [sflag:$0x1] =	stream.linear.gather [hbm4b:s8+s2], $0xC800, $0x38  }
0x93: {  	_ =	swait.ge [sflag:s26], $0xC800  }
0x94: {  	[sflag:s26] =	ssyncset.done $0x0  }
0x95: {  	s2 =	simm.s32 $0x0;
	[sflag:s26] =	ssyncadd.s32 $0xFFFF3800  }
0x96: {  	v20 =	vsel vm2, v22, v20;
	v26 =	vld.idx.msk [tilespmem:v9+s2+$0xFFFFFFE0 ss:$0x1], $0xffff  }
0x97: {  	v15 =	vsel vm1, v24, v15;
	v16 =	vsel vm0, v11, v16;
	v21 =	vsel vm2, v23, v21;
	v22 =	vld.idx.msk [tilespmem:v9+s2+$0xFFFFFFF0 ss:$0x1], $0xffff  }
0x98: {  	v17 =	vsel vm1, v23, v17;
	v27 =	vadd.s32 $0x1, v23;
	vm1 =	vgt.f32 v13, v18;
	v24 =	vld.idx.msk [tilespmem:v9+s2+$0x0 ss:$0x1], $0xffff  }
0x99: {  	v14 =	vsel vm0, v23, v14;
	v18 =	vsel vm1, v13, v18;
	vm0 =	vgt.f32 v10, v20;
	v11 =	vld.idx.msk [tilespmem:v9+s2+$0x10 ss:$0x1], $0xffff  }
0x9a: {  	v19 =	vsel vm1, v27, v19;
	vm1 =	vgt.f32 v12, v15;
	v20 =	vsel vm0, v10, v20  }
0x9b: {  	s28 =	simm.s32 $0x80;
	v23 =	vmovc v5;
	v21 =	vsel vm0, v27, v21;
	vm2 =	vgt.f32 v25, v16;
	v15 =	vsel vm1, v12, v15  }
0x9c: {  	v17 =	vsel vm1, v27, v17;
	v13 =	vld.idx.msk [tilespmem:v9+s28+$0xFFFFFFE0 ss:$0x1], $0xffff;
	v16 =	vsel vm2, v25, v16;
	v14 =	vsel vm2, v27, v14  }
0x9d: {  	v10 =	vld.idx.msk [tilespmem:v9+s28+$0xFFFFFFF0 ss:$0x1], $0xffff;
	vm0 =	vgt.f32 v26, v18;
	vm2 =	vgt.f32 v22, v20;
	vm1 =	vgt.f32 v24, v15  }
0x9e: {  	s30 =	simm.s32 $0x400;
	v12 =	vld.idx.msk [tilespmem:v9+s28+$0x0 ss:$0x1], $0xffff;
	v18 =	vsel vm0, v26, v18;
	v19 =	vsel vm0, v5, v19;
	vm0 =	vgt.f32 v11, v16  }
.LBB2_12:
0x9f: {  	p1 =	sne.s32 s30, $0x31E00;
	v20 =	vsel vm2, v22, v20;
	v15 =	vsel vm1, v24, v15;
	v16 =	vsel vm0, v11, v16;
	v11 =	vld.idx.msk [tilespmem:v9+s28+$0x10 ss:$0x1], $0xffff  }
0xa0: {  	v21 =	vsel vm2, v23, v21;
	v17 =	vsel vm1, v23, v17;
	v14 =	vsel vm0, v23, v14  }
.Ltmp7:
0xa1: {  	(pc) =	sbr.rel @p1 .LBB2_12-.Ltmp7, $4  }
0xa2: {  	s28 =	sshra.s32 s30, $0x2;
	v25 =	vmov v13  }
0xa3: {  	v23 =	vadd.s32 $0x1, v23;
	vm0 =	vgt.f32 v25, v18;
	v22 =	vmov v10;
	v13 =	vld.idx.msk [tilespmem:v9+s28+$0xFFFFFFE0 ss:$0x1], $0xffff  }
0xa4: {  	v18 =	vsel vm0, v25, v18;
	v19 =	vsel vm0, v23, v19;
	v24 =	vmov v12;
	v10 =	vld.idx.msk [tilespmem:v9+s28+$0xFFFFFFF0 ss:$0x1], $0xffff  }
0xa5: {  	s30 =	sadd.s32 $0x200, s30;
	vm2 =	vgt.f32 v22, v20;
	vm1 =	vgt.f32 v24, v15;
	vm0 =	vgt.f32 v11, v16;
	v12 =	vld.idx.msk [tilespmem:v9+s28+$0x0 ss:$0x1], $0xffff  }
0xa6: {  	_ =	sdelay $0x2  }
0xa7: {  	s2 =	simm.s32 $0x0  }
0xa8: {  	v25 =	vld.idx.msk [tilespmem:v9+s28+$0x10 ss:$0x1], $0xffff;
	[tilespmem:s24], [sflag:$0x2] =	stream.linear.gather [hbm4b:s9+s2], $0xC800, $0x38  }
0xa9: {  	_ =	swait.ge [sflag:s25], $0xC800  }
0xaa: {  	[sflag:s25] =	ssyncset.done $0x0  }
0xab: {  	s2 =	simm.s32 $0x0;
	[sflag:s25] =	ssyncadd.s32 $0xFFFF3800  }
0xac: {  	v20 =	vsel vm2, v22, v20;
	v26 =	vld.idx.msk [tilespmem:v8+s2+$0xFFFFFFE0 ss:$0x1], $0xffff  }
0xad: {  	v15 =	vsel vm1, v24, v15;
	v16 =	vsel vm0, v11, v16;
	v21 =	vsel vm2, v23, v21;
	v22 =	vld.idx.msk [tilespmem:v8+s2+$0xFFFFFFF0 ss:$0x1], $0xffff  }
0xae: {  	v17 =	vsel vm1, v23, v17;
	v27 =	vadd.s32 $0x1, v23;
	vm1 =	vgt.f32 v13, v18;
	v24 =	vld.idx.msk [tilespmem:v8+s2+$0x0 ss:$0x1], $0xffff  }
0xaf: {  	v14 =	vsel vm0, v23, v14;
	v13 =	vsel vm1, v13, v18;
	vm0 =	vgt.f32 v10, v20;
	v11 =	vld.idx.msk [tilespmem:v8+s2+$0x10 ss:$0x1], $0xffff  }
0xb0: {  	v19 =	vsel vm1, v27, v19;
	vm1 =	vgt.f32 v12, v15;
	v20 =	vsel vm0, v10, v20  }
0xb1: {  	s28 =	simm.s32 $0x80;
	v23 =	vmovc v6;
	v21 =	vsel vm0, v27, v21;
	vm2 =	vgt.f32 v25, v16;
	v15 =	vsel vm1, v12, v15  }
0xb2: {  	v17 =	vsel vm1, v27, v17;
	v10 =	vld.idx.msk [tilespmem:v8+s28+$0xFFFFFFE0 ss:$0x1], $0xffff;
	v16 =	vsel vm2, v25, v16;
	v14 =	vsel vm2, v27, v14  }
0xb3: {  	v12 =	vld.idx.msk [tilespmem:v8+s28+$0xFFFFFFF0 ss:$0x1], $0xffff;
	vm0 =	vgt.f32 v26, v13;
	vm2 =	vgt.f32 v22, v20;
	vm1 =	vgt.f32 v24, v15  }
0xb4: {  	s30 =	simm.s32 $0x400;
	v18 =	vsel vm0, v26, v13;
	v19 =	vsel vm0, v6, v19;
	v13 =	vld.idx.msk [tilespmem:v8+s28+$0x0 ss:$0x1], $0xffff;
	vm0 =	vgt.f32 v11, v16  }
.LBB2_14:
0xb5: {  	p1 =	sne.s32 s30, $0x31E00;
	v20 =	vsel vm2, v22, v20;
	v15 =	vsel vm1, v24, v15;
	v16 =	vsel vm0, v11, v16;
	v11 =	vld.idx.msk [tilespmem:v8+s28+$0x10 ss:$0x1], $0xffff  }
0xb6: {  	v21 =	vsel vm2, v23, v21;
	v17 =	vsel vm1, v23, v17;
	v14 =	vsel vm0, v23, v14  }
.Ltmp8:
0xb7: {  	(pc) =	sbr.rel @p1 .LBB2_14-.Ltmp8, $4  }
0xb8: {  	s28 =	sshra.s32 s30, $0x2;
	v25 =	vmov v10  }
0xb9: {  	v23 =	vadd.s32 $0x1, v23;
	vm0 =	vgt.f32 v25, v18;
	v22 =	vmov v12;
	v10 =	vld.idx.msk [tilespmem:v8+s28+$0xFFFFFFE0 ss:$0x1], $0xffff  }
0xba: {  	v18 =	vsel vm0, v25, v18;
	v19 =	vsel vm0, v23, v19;
	v24 =	vmov v13;
	v12 =	vld.idx.msk [tilespmem:v8+s28+$0xFFFFFFF0 ss:$0x1], $0xffff  }
0xbb: {  	s30 =	sadd.s32 $0x200, s30;
	vm2 =	vgt.f32 v22, v20;
	vm1 =	vgt.f32 v24, v15;
	vm0 =	vgt.f32 v11, v16;
	v13 =	vld.idx.msk [tilespmem:v8+s28+$0x0 ss:$0x1], $0xffff  }
0xbc: {  	_ =	sdelay $0x3  }
0xbd: {  	v25 =	vld.idx.msk [tilespmem:v8+s28+$0x10 ss:$0x1], $0xffff;
	_ =	swait.ge [sflag:s26], $0xC800  }
0xbe: {  	[sflag:s26] =	ssyncset.done $0x0  }
0xbf: {  	s2 =	simm.s32 $0x0;
	[sflag:s26] =	ssyncadd.s32 $0xFFFF3800  }
0xc0: {  	v22 =	vsel vm2, v22, v20;
	v26 =	vld.idx.msk [tilespmem:v9+s2+$0xFFFFFFE0 ss:$0x1], $0xffff  }
0xc1: {  	v15 =	vsel vm1, v24, v15;
	v11 =	vsel vm0, v11, v16;
	v16 =	vsel vm2, v23, v21;
	v20 =	vld.idx.msk [tilespmem:v9+s2+$0xFFFFFFF0 ss:$0x1], $0xffff  }
0xc2: {  	v17 =	vsel vm1, v23, v17;
	v24 =	vadd.s32 $0x1, v23;
	vm1 =	vgt.f32 v10, v18;
	v21 =	vld.idx.msk [tilespmem:v9+s2+$0x0 ss:$0x1], $0xffff  }
0xc3: {  	v23 =	vsel vm0, v23, v14;
	v27 =	vsel vm1, v10, v18;
	v10 =	vld.idx.msk [tilespmem:v9+s2+$0x10 ss:$0x1], $0xffff;
	vm0 =	vgt.f32 v12, v22  }
0xc4: {  	s28 =	simm.s32 $0x80;
	v28 =	vsel vm1, v24, v19;
	vm1 =	vgt.f32 v13, v15;
	v18 =	vsel vm0, v12, v22  }
0xc5: {  	v19 =	vld.idx.msk [tilespmem:v9+s28+$0xFFFFFFF0 ss:$0x1], $0xffff;
	v16 =	vsel vm0, v24, v16;
	vm2 =	vgt.f32 v25, v11;
	v14 =	vsel vm1, v13, v15  }
0xc6: {  	v22 =	vld.idx.msk [tilespmem:v9+s28+$0xFFFFFFE0 ss:$0x1], $0xffff;
	v13 =	vsel vm1, v24, v17;
	v12 =	vsel vm2, v25, v11;
	v11 =	vsel vm2, v24, v23  }
0xc7: {  	v17 =	vld.idx.msk [tilespmem:v9+s28+$0x0 ss:$0x1], $0xffff;
	vm0 =	vgt.f32 v26, v27;
	vm2 =	vgt.f32 v20, v18;
	vm1 =	vgt.f32 v21, v14  }
0xc8: {  	s30 =	simm.s32 $0x400;
	v15 =	vmovc v7;
	v24 =	vsel vm0, v26, v27;
	v23 =	vsel vm0, v7, v28;
	vm0 =	vgt.f32 v10, v12  }
.LBB2_16:
0xc9: {  	p1 =	sne.s32 s30, $0x31E00;
	v18 =	vsel vm2, v20, v18;
	v14 =	vsel vm1, v21, v14;
	v12 =	vsel vm0, v10, v12;
	v10 =	vld.idx.msk [tilespmem:v9+s28+$0x10 ss:$0x1], $0xffff  }
0xca: {  	v16 =	vsel vm2, v15, v16;
	v13 =	vsel vm1, v15, v13;
	v11 =	vsel vm0, v15, v11  }
.Ltmp9:
0xcb: {  	(pc) =	sbr.rel @p1 .LBB2_16-.Ltmp9, $4  }
0xcc: {  	s28 =	sshra.s32 s30, $0x2;
	v25 =	vmov v22  }
0xcd: {  	v15 =	vadd.s32 $0x1, v15;
	vm0 =	vgt.f32 v25, v24;
	v20 =	vmov v19;
	v22 =	vld.idx.msk [tilespmem:v9+s28+$0xFFFFFFE0 ss:$0x1], $0xffff  }
0xce: {  	v24 =	vsel vm0, v25, v24;
	v23 =	vsel vm0, v15, v23;
	v21 =	vmov v17;
	v19 =	vld.idx.msk [tilespmem:v9+s28+$0xFFFFFFF0 ss:$0x1], $0xffff  }
0xcf: {  	s30 =	sadd.s32 $0x200, s30;
	vm2 =	vgt.f32 v20, v18;
	vm1 =	vgt.f32 v21, v14;
	vm0 =	vgt.f32 v10, v12;
	v17 =	vld.idx.msk [tilespmem:v9+s28+$0x0 ss:$0x1], $0xffff  }
0xd0: {  	_ =	sdelay $0x2  }
0xd1: {  	vm3 =	vgt.f32 v22, v24  }
0xd2: {  	v18 =	vsel vm2, v20, v18;
	v60 =	vld.idx.msk [tilespmem:v9+s28+$0x10 ss:$0x1], $0xffff;
	v61 =	vadd.s32 $0x1, v15;
	v22 =	vsel vm3, v22, v24  }
0xd3: {  	v23 =	vsel vm3, v61, v23;
	vm13 =	vgt.f32 v19, v18;
	[tilespmem:$0x19000] =	vst v22  }
0xd4: {  	v16 =	vsel vm2, v15, v16;
	v14 =	vsel vm1, v21, v14;
	v18 =	vsel vm13, v19, v18;
	[tilespmem:$0x19200] =	vst v23  }
0xd5: {  	v16 =	vsel vm13, v61, v16;
	vm14 =	vgt.f32 v17, v14;
	[tilespmem:$0x19080] =	vst v18  }
0xd6: {  	v10 =	vsel vm0, v10, v12;
	v62 =	vsel vm1, v15, v13;
	v63 =	vsel vm14, v17, v14;
	[tilespmem:$0x19280] =	vst v16  }
0xd7: {  	vm15 =	vgt.f32 v60, v10;
	v12 =	vsel vm14, v61, v62;
	[tilespmem:$0x19100] =	vst v63  }
0xd8: {  	v11 =	vsel vm0, v15, v11;
	v10 =	vsel vm15, v60, v10;
	[tilespmem:$0x19300] =	vst v12  }
0xd9: {  	v11 =	vsel vm15, v61, v11;
	[tilespmem:$0x19180] =	vst v10  }
0xda: {  	s2 =	simm.s32 $0x19000;
	[tilespmem:$0x19380] =	vst v11  }
0xdb: {  	[hbm4b:s12+s1] =	stream.linear.scatter [tilespmem:s2], [sflag:$0x4], $0x10, $0x38;
	[tilespmem:$0x19700] =	vst v63  }
0xdc: {  	_ =	swait.ge [sflag:s29], $0x10  }
0xdd: {  	[sflag:s29] =	ssyncset.done $0x0  }
0xde: {  	s28 =	simm.s32 $0x19200;
	[sflag:s29] =	ssyncadd.s32 $0xFFFFFFF0  }
0xdf: {  	[hbm4b:s13+s1] =	stream.linear.scatter [tilespmem:s28], [sflag:$0x4], $0x10, $0x38;
	[tilespmem:$0x19700] =	vst v63  }
0xe0: {  	_ =	swait.ge [sflag:s29], $0x10  }
0xe1: {  	[sflag:s29] =	ssyncset.done $0x0  }
0xe2: {  	s30 =	simm.s32 $0x19080;
	[sflag:s29] =	ssyncadd.s32 $0xFFFFFFF0  }
0xe3: {  	[hbm4b:s10+s1] =	stream.linear.scatter [tilespmem:s30], [sflag:$0x4], $0x10, $0x38;
	[tilespmem:$0x19700] =	vst v63  }
0xe4: {  	_ =	swait.ge [sflag:s29], $0x10  }
0xe5: {  	[sflag:s29] =	ssyncset.done $0x0  }
0xe6: {  	s28 =	simm.s32 $0x19280;
	[sflag:s29] =	ssyncadd.s32 $0xFFFFFFF0  }
0xe7: {  	[hbm4b:s11+s1] =	stream.linear.scatter [tilespmem:s28], [sflag:$0x4], $0x10, $0x38;
	[tilespmem:$0x19700] =	vst v63  }
0xe8: {  	_ =	swait.ge [sflag:s29], $0x10  }
0xe9: {  	[sflag:s29] =	ssyncset.done $0x0  }
0xea: {  	s30 =	simm.s32 $0x19100;
	[sflag:s29] =	ssyncadd.s32 $0xFFFFFFF0  }
0xeb: {  	[hbm4b:s15+s1] =	stream.linear.scatter [tilespmem:s30], [sflag:$0x4], $0x10, $0x38;
	[tilespmem:$0x19700] =	vst v63  }
0xec: {  	_ =	swait.ge [sflag:s29], $0x10  }
0xed: {  	[sflag:s29] =	ssyncset.done $0x0  }
0xee: {  	s28 =	simm.s32 $0x19300;
	[sflag:s29] =	ssyncadd.s32 $0xFFFFFFF0  }
0xef: {  	[hbm4b:s16+s1] =	stream.linear.scatter [tilespmem:s28], [sflag:$0x4], $0x10, $0x38;
	[tilespmem:$0x19700] =	vst v63  }
0xf0: {  	_ =	swait.ge [sflag:s29], $0x10  }
0xf1: {  	[sflag:s29] =	ssyncset.done $0x0  }
0xf2: {  	s30 =	simm.s32 $0x19180;
	[sflag:s29] =	ssyncadd.s32 $0xFFFFFFF0  }
0xf3: {  	[hbm4b:s17+s1] =	stream.linear.scatter [tilespmem:s30], [sflag:$0x4], $0x10, $0x38;
	[tilespmem:$0x19700] =	vst v63  }
0xf4: {  	_ =	swait.ge [sflag:s29], $0x10  }
0xf5: {  	[sflag:s29] =	ssyncset.done $0x0  }
0xf6: {  	[sflag:s29] =	ssyncadd.s32 $0xFFFFFFF0  }
0xf7: {  	[hbm4b:s18+s1] =	stream.linear.scatter [tilespmem:s20], [sflag:$0x4], $0x10, $0x38;
	[tilespmem:$0x19700] =	vst v63  }
.Ltmp10:
0xf8: {  	_ =	swait.ge [sflag:s29], $0x10;
	(pc) =	sbr.rel @p0 .LBB2_19-.Ltmp10, $3  }
0xf9: {  	[sflag:s29] =	ssyncset.done $0x0  }
0xfa: {  	[sflag:s29] =	ssyncadd.s32 $0xFFFFFFF0  }
0xfb: {  	[bflag:$0x0] =	sbarrier.arrive $0xFFFF;
	_ =	sdelay $0x1  }
0xfc: {  	s2 =	simm.s32 $0x19400  }
0xfd: {  	[tilespmem:s2], [sflag:$0x3] =	stream.linear.gather [hbm4b:s21+s1], $0x100, $0x38;
	[tilespmem:$0x19700] =	vst v63  }
0xfe: {  	_ =	swait.ge [sflag:s14], $0x100  }
0xff: {  	[sflag:s14] =	ssyncset.done $0x0  }
0x100: {  	s30 =	simm.s32 $0x19500;
	[sflag:s14] =	ssyncadd.s32 $0xFFFFFF00  }
0x101: {  	[tilespmem:s30], [sflag:$0x3] =	stream.linear.gather [hbm4b:s22+s1], $0x100, $0x38;
	[tilespmem:$0x19700] =	vst v63  }
0x102: {  	_ =	swait.ge [sflag:s14], $0x100  }
0x103: {  	[sflag:s14] =	ssyncset.done $0x0  }
0x104: {  	[sflag:s14] =	ssyncadd.s32 $0xFFFFFF00  }
0x105: {  	v10 =	vld [tilespmem:$0x19400]  }
0x106: {  	v11 =	vld [tilespmem:$0x19500]  }
0x107: {  	v12 =	vld [tilespmem:$0x19410]  }
0x108: {  	v13 =	vld [tilespmem:$0x19510];
	_ =	sdelay $0x2  }
0x109: {  	v14 =	vld [tilespmem:$0x19420]  }
0x10a: {  	v15 =	vld [tilespmem:$0x19520]  }
0x10b: {  	vm0 =	veq.f32 v12, v10;
	vm1 =	vlt.s32 v13, v11  }
0x10c: {  	vm10 =	vgt.f32 v12, v10;
	vm0 =	vmand vm0, vm1  }
0x10d: {  	v16 =	vld [tilespmem:$0x19430];
	vm0 =	vmor vm10, vm0  }
0x10e: {  	v39 =	vld [tilespmem:$0x19530];
	v10 =	vsel vm0, v12, v10;
	v11 =	vsel vm0, v13, v11  }
0x10f: {  	vm11 =	veq.f32 v14, v10;
	vm12 =	vlt.s32 v15, v11  }
0x110: {  	vm13 =	vgt.f32 v14, v10;
	vm0 =	vmand vm11, vm12  }
0x111: {  	v40 =	vld [tilespmem:$0x19440];
	vm0 =	vmor vm13, vm0  }
0x112: {  	v41 =	vld [tilespmem:$0x19540];
	v10 =	vsel vm0, v14, v10;
	v11 =	vsel vm0, v15, v11  }
0x113: {  	vm14 =	veq.f32 v16, v10;
	vm15 =	vlt.s32 v39, v11  }
0x114: {  	vm4 =	vgt.f32 v16, v10;
	vm0 =	vmand vm14, vm15  }
0x115: {  	v42 =	vld [tilespmem:$0x19450];
	vm0 =	vmor vm4, vm0  }
0x116: {  	v43 =	vld [tilespmem:$0x19550];
	v10 =	vsel vm0, v16, v10;
	v11 =	vsel vm0, v39, v11  }
0x117: {  	vm5 =	veq.f32 v40, v10;
	vm6 =	vlt.s32 v41, v11  }
0x118: {  	vm7 =	vgt.f32 v40, v10;
	vm0 =	vmand vm5, vm6  }
0x119: {  	v44 =	vld [tilespmem:$0x19460];
	vm0 =	vmor vm7, vm0  }
0x11a: {  	v45 =	vld [tilespmem:$0x19560];
	v10 =	vsel vm0, v40, v10;
	v11 =	vsel vm0, v41, v11  }
0x11b: {  	vm8 =	veq.f32 v42, v10;
	vm9 =	vlt.s32 v43, v11  }
0x11c: {  	vm10 =	vgt.f32 v42, v10;
	vm0 =	vmand vm8, vm9  }
0x11d: {  	v46 =	vld [tilespmem:$0x19470];
	vm0 =	vmor vm10, vm0  }
0x11e: {  	v47 =	vld [tilespmem:$0x19570];
	v10 =	vsel vm0, v42, v10;
	v11 =	vsel vm0, v43, v11  }
0x11f: {  	vm11 =	veq.f32 v44, v10;
	vm12 =	vlt.s32 v45, v11  }
0x120: {  	vm13 =	vgt.f32 v44, v10;
	vm0 =	vmand vm11, vm12  }
0x121: {  	v48 =	vld [tilespmem:$0x19480];
	vm0 =	vmor vm13, vm0  }
0x122: {  	v49 =	vld [tilespmem:$0x19580];
	v10 =	vsel vm0, v44, v10;
	v11 =	vsel vm0, v45, v11  }
0x123: {  	vm14 =	veq.f32 v46, v10;
	vm15 =	vlt.s32 v47, v11  }
0x124: {  	vm4 =	vgt.f32 v46, v10;
	vm0 =	vmand vm14, vm15  }
0x125: {  	v50 =	vld [tilespmem:$0x19490];
	vm0 =	vmor vm4, vm0  }
0x126: {  	v51 =	vld [tilespmem:$0x19590];
	v10 =	vsel vm0, v46, v10;
	v11 =	vsel vm0, v47, v11  }
0x127: {  	vm5 =	veq.f32 v48, v10;
	vm6 =	vlt.s32 v49, v11  }
0x128: {  	vm7 =	vgt.f32 v48, v10;
	vm0 =	vmand vm5, vm6  }
0x129: {  	v52 =	vld [tilespmem:$0x194A0];
	vm0 =	vmor vm7, vm0  }
0x12a: {  	v53 =	vld [tilespmem:$0x195A0];
	v10 =	vsel vm0, v48, v10;
	v11 =	vsel vm0, v49, v11  }
0x12b: {  	vm8 =	veq.f32 v50, v10;
	vm9 =	vlt.s32 v51, v11  }
0x12c: {  	vm10 =	vgt.f32 v50, v10;
	vm0 =	vmand vm8, vm9  }
0x12d: {  	v54 =	vld [tilespmem:$0x194B0];
	vm0 =	vmor vm10, vm0  }
0x12e: {  	v55 =	vld [tilespmem:$0x195B0];
	v10 =	vsel vm0, v50, v10;
	v11 =	vsel vm0, v51, v11  }
0x12f: {  	vm11 =	veq.f32 v52, v10;
	vm12 =	vlt.s32 v53, v11  }
0x130: {  	vm13 =	vgt.f32 v52, v10;
	vm0 =	vmand vm11, vm12  }
0x131: {  	v56 =	vld [tilespmem:$0x194C0];
	vm0 =	vmor vm13, vm0  }
0x132: {  	v57 =	vld [tilespmem:$0x195C0];
	v10 =	vsel vm0, v52, v10;
	v11 =	vsel vm0, v53, v11  }
0x133: {  	vm14 =	veq.f32 v54, v10;
	vm15 =	vlt.s32 v55, v11  }
0x134: {  	vm4 =	vgt.f32 v54, v10;
	vm0 =	vmand vm14, vm15  }
0x135: {  	v58 =	vld [tilespmem:$0x194D0];
	vm0 =	vmor vm4, vm0  }
0x136: {  	v59 =	vld [tilespmem:$0x195D0];
	v10 =	vsel vm0, v54, v10;
	v11 =	vsel vm0, v55, v11  }
0x137: {  	vm5 =	veq.f32 v56, v10;
	vm6 =	vlt.s32 v57, v11  }
0x138: {  	vm7 =	vgt.f32 v56, v10;
	vm0 =	vmand vm5, vm6  }
0x139: {  	v60 =	vld [tilespmem:$0x194E0];
	vm0 =	vmor vm7, vm0  }
0x13a: {  	v61 =	vld [tilespmem:$0x195E0];
	v10 =	vsel vm0, v56, v10;
	v11 =	vsel vm0, v57, v11  }
0x13b: {  	vm8 =	veq.f32 v58, v10;
	vm9 =	vlt.s32 v59, v11  }
0x13c: {  	vm10 =	vgt.f32 v58, v10;
	vm0 =	vmand vm8, vm9  }
0x13d: {  	v62 =	vld [tilespmem:$0x194F0];
	vm0 =	vmor vm10, vm0  }
0x13e: {  	v63 =	vld [tilespmem:$0x195F0];
	v10 =	vsel vm0, v58, v10;
	v11 =	vsel vm0, v59, v11  }
0x13f: {  	vm11 =	veq.f32 v60, v10;
	vm12 =	vlt.s32 v61, v11  }
0x140: {  	vm13 =	vgt.f32 v60, v10;
	vm0 =	vmand vm11, vm12  }
0x141: {  	vm0 =	vmor vm13, vm0  }
0x142: {  	v10 =	vsel vm0, v60, v10;
	v11 =	vsel vm0, v61, v11  }
0x143: {  	vm14 =	veq.f32 v62, v10;
	vm15 =	vlt.s32 v63, v11  }
0x144: {  	vm2 =	vgt.f32 v62, v10;
	vm0 =	vmand vm14, vm15  }
0x145: {  	vm0 =	vmor vm2, vm0  }
0x146: {  	v11 =	vsel vm0, v63, v11  }
0x147: {  	v10 =	vsel vm0, v62, v10;
	[tilespmem:$0x19600] =	vst v11  }
0x148: {  	s28 =	simm.s32 $0x19600;
	[tilespmem:$0x19680] =	vst v10  }
0x149: {  	[hbm4b:s31+s1] =	stream.linear.scatter [tilespmem:s28], [sflag:$0x4], $0x10, $0x38;
	[tilespmem:$0x19700] =	vst v63  }
0x14a: {  	_ =	swait.ge [sflag:s29], $0x10  }
0x14b: {  	s28 =	simm.s32 $0x19680;
	[sflag:s29] =	ssyncset.done $0x0  }
.Ltmp11:
0x14c: {  	s30 =	rddreg [dreg:$0x3];
	[sflag:s29] =	ssyncadd.s32 $0xFFFFFFF0;
	(pc) =	sbr.rel .LBB2_19-.Ltmp11, $4  }
0x14d: {  	[hbm4b:s30+s1] =	stream.linear.scatter [tilespmem:s28], [sflag:$0x4], $0x10, $0x38;
	[tilespmem:$0x19700] =	vst v63  }
0x14e: {  	_ =	swait.ge [sflag:s29], $0x10  }
0x14f: {  	[sflag:s29] =	ssyncset.done $0x0  }
0x150: {  	[sflag:s29] =	ssyncadd.s32 $0xFFFFFFF0  }
.LBB2_20:
0x151: {  	_ =	sfence.sel $0x180000  }
0x152: {  	[bflag:$0x0] =	sbarrier.arrive $0xFFFF  }
0x153: {  	_ =	strace $0x90000047  }
0x154: {  	s0 =	stileid.u32;
	[bflag:$0x2] =	sbarrier.arrive $0xFFFF  }
0x155: {  	p0 =	sne.s32 s0, $0x0;
	s0 =	rddreg [dreg:$0x2]  }
0x156: {  	s0 =	sadd.s32 @!p0 $0x100000, s0  }
0x157: {  	[sflag:s0] =	ssyncadd.tile.s32 @!p0 $0x1;
	_ =	shalt  }
.Lfunc_end2:
_tile_overlayer_lowered:
.L_overlay_start_2:
0x158: {  	(tag) =	ssettag $0x2  }
0x159: {  	s0 =	rddreg [dreg:$0x0];
	s2 =	stileid.u32  }
0x15a: {  	s1 =	rddreg [dreg:$0x1];
	p0 =	sne.s32 s2, $0x0  }
0x15b: {  	s3 =	rddreg [dreg:$0x2];
	[bflag:$0x3] =	sbarrier.arrive $0xFFFF;
	s2 =	simm.s32 @!p0 $0x1C04  }
0x15c: {  	[timem:s3], [sflag:s2] =	dma.local @!p0 [hbm:s0], s1  }
0x15d: {  	s0 =	simm.s32 @!p0 $0x4  }
0x15e: {  	_ =	swait.ge @!p0 [sflag:s0], s1  }
0x15f: {  	s1 =	ssub.s32 @!p0 $0x0, s1;
	[sflag:s0] =	ssyncset.done @!p0 $0x0  }
0x160: {  	[sflag:s0] =	ssyncadd.s32 @!p0 s1  }
0x161: {  	[bflag:$0x3] =	sbarrier.arrive $0xFFFF  }
0x162: {  	_ =	shalt  }

</sc_bundles>
